<compile_context>
chip_gen: v7x
topology: tpu7x:2x2x1
jax: 0.10.2.dev20260603
libtpu: 0.0.44.dev20260713+nightly
codegen_flags: <defaults>
</compile_context>

<pallas_src>
import jax
import jax.numpy as jnp
from jax import lax
from jax.experimental import pallas as pl
from jax.experimental.pallas import tpu as pltpu
from jax.experimental.pallas import tpu_sc as plsc

N_NODES = 10000
N_PAD = 10240
B = 8
B_HALF = 4
E = 160000
TILES = 16
E_PER_TILE = E // TILES
VECS = E_PER_TILE // 16
UNROLL = 5
ACC_ROWS = B_HALF * N_PAD // 16
ROWS_PER_B = N_PAD // 16
N_PER_TILE = N_PAD // TILES
FVECS = N_PER_TILE // 16
N_LAST = N_NODES - 15 * N_PER_TILE


def _gnn_body(x_hbm, src_hbm, dst_hbm, w_hbm, bias_hbm, rowidx_hbm,
              out_hbm,
              x_v, acc_v, src_v, dst_v, w_v, rowidx_v, fbuf_v, obuf_v, bias_v,
              shared_acc, shared_x, sem):
    c = lax.axis_index("c")
    s = lax.axis_index("s")

    e0 = s * E_PER_TILE
    h_s = pltpu.async_copy(src_hbm.at[pl.ds(e0, E_PER_TILE)], src_v, sem)
    h_d = pltpu.async_copy(dst_hbm.at[pl.ds(e0, E_PER_TILE)], dst_v, sem)
    h_w = pltpu.async_copy(w_hbm.at[pl.ds(e0, E_PER_TILE)], w_v, sem)
    h_r = pltpu.async_copy(rowidx_hbm, rowidx_v, sem)

    @pl.when(s == 0)
    def _stage_x():
        pltpu.sync_copy(x_hbm.at[c], shared_x)

    zv = jnp.zeros((16,), jnp.float32)

    @plsc.parallel_loop(0, ACC_ROWS // 8, unroll=4)
    def zstep(j):
        base = j * 8
        for u in range(8):
            acc_v[base + u] = zv

    stripe = ACC_ROWS // TILES
    pltpu.sync_copy(acc_v.at[pl.ds(s * stripe, stripe)],
                    shared_acc.at[pl.ds(s * stripe, stripe)])
    plsc.subcore_barrier()

    pltpu.sync_copy(shared_x, x_v)

    h_s.wait()
    h_d.wait()
    h_w.wait()
    h_r.wait()

    @plsc.parallel_loop(0, VECS, unroll=UNROLL)
    def step(i):
        sl = pl.ds(i * 16, 16)
        sv = src_v[sl]
        dv = dst_v[sl]
        wv = w_v[sl]
        row = lax.shift_right_logical(dv, 4)
        lane = lax.bitwise_and(dv, 15)
        for bb in range(B_HALF):
            g = plsc.load_gather(x_v, [sv + bb * N_NODES])
            plsc.addupdate_scatter(acc_v, [row + bb * ROWS_PER_B, lane],
                                   g * wv)

    pltpu.sync_copy(acc_v, shared_acc.at[rowidx_v], add=True)
    plsc.subcore_barrier()

    n0 = s * N_PER_TILE

    pltpu.sync_copy(bias_hbm.at[pl.ds(n0, N_PER_TILE)], bias_v)

    for bb in range(B_HALF):
        pltpu.sync_copy(
            shared_acc.at[pl.ds(bb * ROWS_PER_B + s * FVECS, FVECS)],
            fbuf_v.at[pl.ds(bb * FVECS, FVECS)])

    @plsc.parallel_loop(0, FVECS, unroll=4)
    def fstep(j):
        sl = pl.ds(j * 16, 16)
        for bb in range(B_HALF):
            v = fbuf_v[bb * FVECS + j]
            obuf_v[bb, sl] = jnp.maximum(v + bias_v[sl], 0.0)

    pltpu.sync_copy(obuf_v,
                    out_hbm.at[pl.ds(c * B_HALF, B_HALF),
                               pl.ds(n0, N_PER_TILE)])


def kernel(inputs, src, dst, adj_vals, w, b):
    xflat = inputs.reshape(2, B_HALF * N_NODES)
    weff = adj_vals * w
    bpad = jnp.zeros((N_PAD,), jnp.float32).at[:N_NODES].set(b)
    rowidx = lax.iota(jnp.int32, ACC_ROWS)

    fn = pl.kernel(
        _gnn_body,
        mesh=plsc.VectorSubcoreMesh(core_axis_name="c", subcore_axis_name="s"),
        out_type=jax.ShapeDtypeStruct((B, N_PAD), jnp.float32),
        compiler_params=pltpu.CompilerParams(needs_layout_passes=False,
                                             use_tc_tiling_on_sc=False),
        scratch_types=[
            pltpu.VMEM((B_HALF * N_NODES,), jnp.float32),
            pltpu.VMEM((ACC_ROWS, 16), jnp.float32),
            pltpu.VMEM((E_PER_TILE,), jnp.int32),
            pltpu.VMEM((E_PER_TILE,), jnp.int32),
            pltpu.VMEM((E_PER_TILE,), jnp.float32),
            pltpu.VMEM((ACC_ROWS,), jnp.int32),
            pltpu.VMEM((B_HALF * FVECS, 16), jnp.float32),
            pltpu.VMEM((B_HALF, N_PER_TILE), jnp.float32),
            pltpu.VMEM((N_PER_TILE,), jnp.float32),
            pltpu.VMEM_SHARED((ACC_ROWS, 16), jnp.float32),
            pltpu.VMEM_SHARED((B_HALF * N_NODES,), jnp.float32),
            pltpu.SemaphoreType.DMA,
        ],
    )
    out = fn(xflat, src, dst, weff, bpad, rowidx)
    return out[:, :N_NODES]

# --- scband reference (transcript-rebuilt; emitter-appended) ---
"""Pipeline reference for scband-gnnlayer-54657753809402 (READ-ONLY COPY).

The authoritative reference and input builder live on the scoring server;
editing this copy changes nothing except your own understanding.
"""

import jax, jax.numpy as jnp
import numpy as np

N_NODES = 10000
N_EDGES = 160000
BATCH = 8


def setup_inputs(seed: int = 0) -> dict:
    key = jax.random.key(seed)
    k1, k2, k3, k4, k5 = jax.random.split(key, 5)
    inputs = jax.random.normal(k1, (BATCH, N_NODES), dtype=jnp.float32)
    # sparse adjacency: COO indices (src, dst) of a [N_NODES, N_NODES] 0/1 matrix
    src = jax.random.randint(k2, (N_EDGES,), 0, N_NODES, dtype=jnp.int32)
    dst = jax.random.randint(k3, (N_EDGES,), 0, N_NODES, dtype=jnp.int32)
    adj_vals = jnp.ones((N_EDGES,), dtype=jnp.float32)  # tf.sparse.from_dense of binary adj -> values == 1
    # learned parameters (keras 'random_normal' initializer, stddev=0.05)
    w = 0.05 * jax.random.normal(k4, (N_EDGES,), dtype=jnp.float32)
    b = 0.05 * jax.random.normal(k5, (N_NODES,), dtype=jnp.float32)
    return {"inputs": inputs, "src": src, "dst": dst, "adj_vals": adj_vals, "w": w, "b": b}


def reference(inputs, src, dst, adj_vals, w, b):
    # edges_values = inputs[:, sources]  -> gather node scalar features per edge: [B, E]
    edges_values = inputs[:, src]
    # weighted_edges = adj.values * edges_values * w
    weighted_edges = adj_vals[None, :] * edges_values * w[None, :]
    # 3D sparse tensor reduce_sum over axis=1 == scatter-add edges into their
    # destination node (indices[:, 1]) per batch element -> [B, N]
    weighted_ngh_sum = jnp.zeros_like(inputs).at[:, dst].add(weighted_edges)
    x = weighted_ngh_sum + b[None, :]
    return jax.nn.relu(x)

if __name__ == "__main__":
    import jax
    _d = setup_inputs()
    print(jax.jit(kernel)(*tuple(_d.values())))

</pallas_src>

<mosaic_0001>
#map = affine_map<(d0, d1) -> (0, 0)>
#map1 = affine_map<(d0, d1) -> (0)>
module attributes {stable_mosaic.version = 14 : i64} {
  func.func @_gnn_body(%arg0: i32, %arg1: i32, %arg2: memref<2x40000xf32, #tpu.memory_space<hbm>>, %arg3: memref<160000xi32, #tpu.memory_space<hbm>>, %arg4: memref<160000xi32, #tpu.memory_space<hbm>>, %arg5: memref<160000xf32, #tpu.memory_space<hbm>>, %arg6: memref<10240xf32, #tpu.memory_space<hbm>>, %arg7: memref<2560xi32, #tpu.memory_space<hbm>>, %arg8: memref<8x10240xf32, #tpu.memory_space<hbm>>, %arg9: memref<40000xf32, #tpu.memory_space<vmem>>, %arg10: memref<2560x16xf32, #tpu.memory_space<vmem>>, %arg11: memref<10000xi32, #tpu.memory_space<vmem>>, %arg12: memref<10000xi32, #tpu.memory_space<vmem>>, %arg13: memref<10000xf32, #tpu.memory_space<vmem>>, %arg14: memref<2560xi32, #tpu.memory_space<vmem>>, %arg15: memref<160x16xf32, #tpu.memory_space<vmem>>, %arg16: memref<4x640xf32, #tpu.memory_space<vmem>>, %arg17: memref<640xf32, #tpu.memory_space<vmem>>, %arg18: memref<2560x16xf32, #tpu.memory_space<vmem_shared>>, %arg19: memref<40000xf32, #tpu.memory_space<vmem_shared>>, %arg20: memref<!tpu.dma_semaphore, #tpu.memory_space<semaphore_mem>>) attributes {dimension_semantics = [#tpu.dimension_semantics<core_parallel>, #tpu.dimension_semantics<subcore_parallel>], iteration_bounds = array<i64: 2, 16>, scalar_prefetch = 0 : i64, scratch_operands = 12 : i64, tpu.core_type = #tpu.core_type<sc_vector_subcore>, window_params = [{transform_indices = #map}, {transform_indices = #map1}, {transform_indices = #map1}, {transform_indices = #map1}, {transform_indices = #map1}, {transform_indices = #map1}, {transform_indices = #map}]} {
    %mul3A = arith.constant 10000 : i32
    %mul3A_0 = arith.muli %arg1, %mul3A : i32
    %dma_start3A = tpu.memref_slice %arg3[%mul3A_0] : memref<160000xi32, #tpu.memory_space<hbm>> -> memref<10000xi32, #tpu.memory_space<hbm>>
    %dma_start3A_1 = tpu.memref_slice %arg3[%mul3A_0] : memref<160000xi32, #tpu.memory_space<hbm>> -> memref<10000xi32, #tpu.memory_space<hbm>>
    tpu.enqueue_dma source(%dma_start3A_1 : memref<10000xi32, #tpu.memory_space<hbm>>) target(%arg11 : memref<10000xi32, #tpu.memory_space<vmem>>) target_semaphore(%arg20 : memref<!tpu.dma_semaphore, #tpu.memory_space<semaphore_mem>>)
    %dma_start3A_2 = tpu.memref_slice %arg4[%mul3A_0] : memref<160000xi32, #tpu.memory_space<hbm>> -> memref<10000xi32, #tpu.memory_space<hbm>>
    %dma_start3A_3 = tpu.memref_slice %arg4[%mul3A_0] : memref<160000xi32, #tpu.memory_space<hbm>> -> memref<10000xi32, #tpu.memory_space<hbm>>
    tpu.enqueue_dma source(%dma_start3A_3 : memref<10000xi32, #tpu.memory_space<hbm>>) target(%arg12 : memref<10000xi32, #tpu.memory_space<vmem>>) target_semaphore(%arg20 : memref<!tpu.dma_semaphore, #tpu.memory_space<semaphore_mem>>)
    %dma_start3A_4 = tpu.memref_slice %arg5[%mul3A_0] : memref<160000xf32, #tpu.memory_space<hbm>> -> memref<10000xf32, #tpu.memory_space<hbm>>
    %dma_start3A_5 = tpu.memref_slice %arg5[%mul3A_0] : memref<160000xf32, #tpu.memory_space<hbm>> -> memref<10000xf32, #tpu.memory_space<hbm>>
    tpu.enqueue_dma source(%dma_start3A_5 : memref<10000xf32, #tpu.memory_space<hbm>>) target(%arg13 : memref<10000xf32, #tpu.memory_space<vmem>>) target_semaphore(%arg20 : memref<!tpu.dma_semaphore, #tpu.memory_space<semaphore_mem>>)
    tpu.enqueue_dma source(%arg7 : memref<2560xi32, #tpu.memory_space<hbm>>) target(%arg14 : memref<2560xi32, #tpu.memory_space<vmem>>) target_semaphore(%arg20 : memref<!tpu.dma_semaphore, #tpu.memory_space<semaphore_mem>>)
    %eq3A = arith.constant 0 : i32
    %eq3A_6 = arith.cmpi eq, %arg1, %eq3A : i32
    %convert_element_type3A = arith.extui %eq3A_6 : i1 to i32
    %cond3A = arith.constant 0 : i32
    %cond3A_7 = arith.cmpi ne, %convert_element_type3A, %cond3A : i32
    scf.if %cond3A_7 {
      "tpu.region"() ({
        %run_scoped3A = tpu.sem_alloc : memref<!tpu.dma_semaphore, #tpu.memory_space<semaphore_mem>>
        %dma_start3A_46 = arith.constant 0 : i32
        %dma_start3A_47 = tpu.memref_slice %arg2[%arg0, %dma_start3A_46] : memref<2x40000xf32, #tpu.memory_space<hbm>> -> memref<1x40000xf32, #tpu.memory_space<hbm>>
        %dma_start3A_48 = tpu.memref_squeeze %dma_start3A_47 : memref<1x40000xf32, #tpu.memory_space<hbm>> -> memref<40000xf32, #tpu.memory_space<hbm>>
        tpu.enqueue_dma source(%dma_start3A_48 : memref<40000xf32, #tpu.memory_space<hbm>>) target(%arg19 : memref<40000xf32, #tpu.memory_space<vmem_shared>>) target_semaphore(%run_scoped3A : memref<!tpu.dma_semaphore, #tpu.memory_space<semaphore_mem>>)
        %dma_wait3A_49 = arith.constant 0 : i32
        %dma_wait3A_50 = tpu.memref_slice %arg2[%arg0, %dma_wait3A_49] : memref<2x40000xf32, #tpu.memory_space<hbm>> -> memref<1x40000xf32, #tpu.memory_space<hbm>>
        %dma_wait3A_51 = tpu.memref_squeeze %dma_wait3A_50 : memref<1x40000xf32, #tpu.memory_space<hbm>> -> memref<40000xf32, #tpu.memory_space<hbm>>
        tpu.wait_dma2 semaphore(%run_scoped3A : memref<!tpu.dma_semaphore, #tpu.memory_space<semaphore_mem>>) src(%dma_wait3A_51 : memref<40000xf32, #tpu.memory_space<hbm>>) dst(%arg19 : memref<40000xf32, #tpu.memory_space<vmem_shared>>)
        tpu.yield
      }) : () -> ()
    } else {
    }
    %broadcast_in_dim3A = arith.constant 0.000000e+00 : f32
    %broadcast_in_dim3A_8 = vector.broadcast %broadcast_in_dim3A : f32 to vector<16xf32>
    %parallel_loop3A = arith.constant 0 : i32
    %parallel_loop3A_9 = arith.constant 320 : i32
    %parallel_loop3A_10 = arith.constant 1 : i32
    scf.for %parallel_loop3A_46 = %parallel_loop3A to %parallel_loop3A_9 step %parallel_loop3A_10  : i32 {
      %parallel_loop3A_47 = arith.constant 8 : i32
      %parallel_loop3A_48 = arith.muli %parallel_loop3A_46, %parallel_loop3A_47 : i32
      %parallel_loop3A_49 = arith.constant 0 : i32
      %parallel_loop3A_50 = arith.addi %parallel_loop3A_48, %parallel_loop3A_49 : i32
      %parallel_loop3A_51 = arith.index_cast %parallel_loop3A_50 : i32 to index
      %parallel_loop3A_52 = arith.constant 0 : index
      %parallel_loop3A_53 = tpu.vector_load %arg10[%parallel_loop3A_51, %parallel_loop3A_52] {strides = array<i32>} : memref<2560x16xf32, #tpu.memory_space<vmem>>, vector<16xf32>,
      tpu.vector_store %arg10[%parallel_loop3A_51, %parallel_loop3A_52], %broadcast_in_dim3A_8 {strides = array<i32>} : memref<2560x16xf32, #tpu.memory_space<vmem>>, vector<16xf32>,
      %parallel_loop3A_54 = arith.constant 1 : i32
      %parallel_loop3A_55 = arith.addi %parallel_loop3A_48, %parallel_loop3A_54 : i32
      %parallel_loop3A_56 = arith.index_cast %parallel_loop3A_55 : i32 to index
      %parallel_loop3A_57 = arith.constant 0 : index
      %parallel_loop3A_58 = tpu.vector_load %arg10[%parallel_loop3A_56, %parallel_loop3A_57] {strides = array<i32>} : memref<2560x16xf32, #tpu.memory_space<vmem>>, vector<16xf32>,
      tpu.vector_store %arg10[%parallel_loop3A_56, %parallel_loop3A_57], %broadcast_in_dim3A_8 {strides = array<i32>} : memref<2560x16xf32, #tpu.memory_space<vmem>>, vector<16xf32>,
      %parallel_loop3A_59 = arith.constant 2 : i32
      %parallel_loop3A_60 = arith.addi %parallel_loop3A_48, %parallel_loop3A_59 : i32
      %parallel_loop3A_61 = arith.index_cast %parallel_loop3A_60 : i32 to index
      %parallel_loop3A_62 = arith.constant 0 : index
      %parallel_loop3A_63 = tpu.vector_load %arg10[%parallel_loop3A_61, %parallel_loop3A_62] {strides = array<i32>} : memref<2560x16xf32, #tpu.memory_space<vmem>>, vector<16xf32>,
      tpu.vector_store %arg10[%parallel_loop3A_61, %parallel_loop3A_62], %broadcast_in_dim3A_8 {strides = array<i32>} : memref<2560x16xf32, #tpu.memory_space<vmem>>, vector<16xf32>,
      %parallel_loop3A_64 = arith.constant 3 : i32
      %parallel_loop3A_65 = arith.addi %parallel_loop3A_48, %parallel_loop3A_64 : i32
      %parallel_loop3A_66 = arith.index_cast %parallel_loop3A_65 : i32 to index
      %parallel_loop3A_67 = arith.constant 0 : index
      %parallel_loop3A_68 = tpu.vector_load %arg10[%parallel_loop3A_66, %parallel_loop3A_67] {strides = array<i32>} : memref<2560x16xf32, #tpu.memory_space<vmem>>, vector<16xf32>,
      tpu.vector_store %arg10[%parallel_loop3A_66, %parallel_loop3A_67], %broadcast_in_dim3A_8 {strides = array<i32>} : memref<2560x16xf32, #tpu.memory_space<vmem>>, vector<16xf32>,
      %parallel_loop3A_69 = arith.constant 4 : i32
      %parallel_loop3A_70 = arith.addi %parallel_loop3A_48, %parallel_loop3A_69 : i32
      %parallel_loop3A_71 = arith.index_cast %parallel_loop3A_70 : i32 to index
      %parallel_loop3A_72 = arith.constant 0 : index
      %parallel_loop3A_73 = tpu.vector_load %arg10[%parallel_loop3A_71, %parallel_loop3A_72] {strides = array<i32>} : memref<2560x16xf32, #tpu.memory_space<vmem>>, vector<16xf32>,
      tpu.vector_store %arg10[%parallel_loop3A_71, %parallel_loop3A_72], %broadcast_in_dim3A_8 {strides = array<i32>} : memref<2560x16xf32, #tpu.memory_space<vmem>>, vector<16xf32>,
      %parallel_loop3A_74 = arith.constant 5 : i32
      %parallel_loop3A_75 = arith.addi %parallel_loop3A_48, %parallel_loop3A_74 : i32
      %parallel_loop3A_76 = arith.index_cast %parallel_loop3A_75 : i32 to index
      %parallel_loop3A_77 = arith.constant 0 : index
      %parallel_loop3A_78 = tpu.vector_load %arg10[%parallel_loop3A_76, %parallel_loop3A_77] {strides = array<i32>} : memref<2560x16xf32, #tpu.memory_space<vmem>>, vector<16xf32>,
      tpu.vector_store %arg10[%parallel_loop3A_76, %parallel_loop3A_77], %broadcast_in_dim3A_8 {strides = array<i32>} : memref<2560x16xf32, #tpu.memory_space<vmem>>, vector<16xf32>,
      %parallel_loop3A_79 = arith.constant 6 : i32
      %parallel_loop3A_80 = arith.addi %parallel_loop3A_48, %parallel_loop3A_79 : i32
      %parallel_loop3A_81 = arith.index_cast %parallel_loop3A_80 : i32 to index
      %parallel_loop3A_82 = arith.constant 0 : index
      %parallel_loop3A_83 = tpu.vector_load %arg10[%parallel_loop3A_81, %parallel_loop3A_82] {strides = array<i32>} : memref<2560x16xf32, #tpu.memory_space<vmem>>, vector<16xf32>,
      tpu.vector_store %arg10[%parallel_loop3A_81, %parallel_loop3A_82], %broadcast_in_dim3A_8 {strides = array<i32>} : memref<2560x16xf32, #tpu.memory_space<vmem>>, vector<16xf32>,
      %parallel_loop3A_84 = arith.constant 7 : i32
      %parallel_loop3A_85 = arith.addi %parallel_loop3A_48, %parallel_loop3A_84 : i32
      %parallel_loop3A_86 = arith.index_cast %parallel_loop3A_85 : i32 to index
      %parallel_loop3A_87 = arith.constant 0 : index
      %parallel_loop3A_88 = tpu.vector_load %arg10[%parallel_loop3A_86, %parallel_loop3A_87] {strides = array<i32>} : memref<2560x16xf32, #tpu.memory_space<vmem>>, vector<16xf32>,
      tpu.vector_store %arg10[%parallel_loop3A_86, %parallel_loop3A_87], %broadcast_in_dim3A_8 {strides = array<i32>} : memref<2560x16xf32, #tpu.memory_space<vmem>>, vector<16xf32>,
    } {sc.loop_unroll_factor = 4 : i64, sc.parallel_access}
    %mul3A_11 = arith.constant 160 : i32
    %mul3A_12 = arith.muli %arg1, %mul3A_11 : i32
    %mul3A_13 = arith.constant 160 : i32
    %mul3A_14 = arith.muli %arg1, %mul3A_13 : i32
    "tpu.region"() ({
      %run_scoped3A = tpu.sem_alloc : memref<!tpu.dma_semaphore, #tpu.memory_space<semaphore_mem>>
      %dma_start3A_46 = arith.constant 0 : i32
      %dma_start3A_47 = tpu.memref_slice %arg10[%mul3A_12, %dma_start3A_46] : memref<2560x16xf32, #tpu.memory_space<vmem>> -> memref<160x16xf32, #tpu.memory_space<vmem>>
      %dma_start3A_48 = arith.constant 0 : i32
      %dma_start3A_49 = tpu.memref_slice %arg18[%mul3A_14, %dma_start3A_48] : memref<2560x16xf32, #tpu.memory_space<vmem_shared>> -> memref<160x16xf32, #tpu.memory_space<vmem_shared>>
      %dma_start3A_50 = arith.constant 0 : i32
      %dma_start3A_51 = tpu.memref_slice %arg18[%mul3A_14, %dma_start3A_50] : memref<2560x16xf32, #tpu.memory_space<vmem_shared>> -> memref<160x16xf32, #tpu.memory_space<vmem_shared>>
      %dma_start3A_52 = arith.constant 0 : i32
      %dma_start3A_53 = tpu.memref_slice %arg10[%mul3A_12, %dma_start3A_52] : memref<2560x16xf32, #tpu.memory_space<vmem>> -> memref<160x16xf32, #tpu.memory_space<vmem>>
      tpu.enqueue_dma source(%dma_start3A_53 : memref<160x16xf32, #tpu.memory_space<vmem>>) target(%dma_start3A_51 : memref<160x16xf32, #tpu.memory_space<vmem_shared>>) target_semaphore(%run_scoped3A : memref<!tpu.dma_semaphore, #tpu.memory_space<semaphore_mem>>)
      %dma_wait3A_54 = arith.constant 0 : i32
      %dma_wait3A_55 = tpu.memref_slice %arg10[%mul3A_12, %dma_wait3A_54] : memref<2560x16xf32, #tpu.memory_space<vmem>> -> memref<160x16xf32, #tpu.memory_space<vmem>>
      %dma_wait3A_56 = arith.constant 0 : i32
      %dma_wait3A_57 = tpu.memref_slice %arg18[%mul3A_14, %dma_wait3A_56] : memref<2560x16xf32, #tpu.memory_space<vmem_shared>> -> memref<160x16xf32, #tpu.memory_space<vmem_shared>>
      %dma_wait3A_58 = arith.constant 0 : i32
      %dma_wait3A_59 = tpu.memref_slice %arg18[%mul3A_14, %dma_wait3A_58] : memref<2560x16xf32, #tpu.memory_space<vmem_shared>> -> memref<160x16xf32, #tpu.memory_space<vmem_shared>>
      %dma_wait3A_60 = arith.constant 0 : i32
      %dma_wait3A_61 = tpu.memref_slice %arg10[%mul3A_12, %dma_wait3A_60] : memref<2560x16xf32, #tpu.memory_space<vmem>> -> memref<160x16xf32, #tpu.memory_space<vmem>>
      tpu.wait_dma2 semaphore(%run_scoped3A : memref<!tpu.dma_semaphore, #tpu.memory_space<semaphore_mem>>) src(%dma_wait3A_61 : memref<160x16xf32, #tpu.memory_space<vmem>>) dst(%dma_wait3A_59 : memref<160x16xf32, #tpu.memory_space<vmem_shared>>)
      tpu.yield
    }) : () -> ()
    %barrier3A = arith.constant 0 : index
    tpu.barrier barrier_id(%barrier3A)
    "tpu.region"() ({
      %run_scoped3A = tpu.sem_alloc : memref<!tpu.dma_semaphore, #tpu.memory_space<semaphore_mem>>
      tpu.enqueue_dma source(%arg19 : memref<40000xf32, #tpu.memory_space<vmem_shared>>) target(%arg9 : memref<40000xf32, #tpu.memory_space<vmem>>) target_semaphore(%run_scoped3A : memref<!tpu.dma_semaphore, #tpu.memory_space<semaphore_mem>>)
      tpu.wait_dma2 semaphore(%run_scoped3A : memref<!tpu.dma_semaphore, #tpu.memory_space<semaphore_mem>>) src(%arg19 : memref<40000xf32, #tpu.memory_space<vmem_shared>>) dst(%arg9 : memref<40000xf32, #tpu.memory_space<vmem>>)
      tpu.yield
    }) : () -> ()
    %dma_wait3A = tpu.memref_slice %arg3[%mul3A_0] : memref<160000xi32, #tpu.memory_space<hbm>> -> memref<10000xi32, #tpu.memory_space<hbm>>
    %dma_wait3A_15 = tpu.memref_slice %arg3[%mul3A_0] : memref<160000xi32, #tpu.memory_space<hbm>> -> memref<10000xi32, #tpu.memory_space<hbm>>
    tpu.wait_dma2 semaphore(%arg20 : memref<!tpu.dma_semaphore, #tpu.memory_space<semaphore_mem>>) src(%dma_wait3A_15 : memref<10000xi32, #tpu.memory_space<hbm>>) dst(%arg11 : memref<10000xi32, #tpu.memory_space<vmem>>)
    %dma_wait3A_16 = tpu.memref_slice %arg4[%mul3A_0] : memref<160000xi32, #tpu.memory_space<hbm>> -> memref<10000xi32, #tpu.memory_space<hbm>>
    %dma_wait3A_17 = tpu.memref_slice %arg4[%mul3A_0] : memref<160000xi32, #tpu.memory_space<hbm>> -> memref<10000xi32, #tpu.memory_space<hbm>>
    tpu.wait_dma2 semaphore(%arg20 : memref<!tpu.dma_semaphore, #tpu.memory_space<semaphore_mem>>) src(%dma_wait3A_17 : memref<10000xi32, #tpu.memory_space<hbm>>) dst(%arg12 : memref<10000xi32, #tpu.memory_space<vmem>>)
    %dma_wait3A_18 = tpu.memref_slice %arg5[%mul3A_0] : memref<160000xf32, #tpu.memory_space<hbm>> -> memref<10000xf32, #tpu.memory_space<hbm>>
    %dma_wait3A_19 = tpu.memref_slice %arg5[%mul3A_0] : memref<160000xf32, #tpu.memory_space<hbm>> -> memref<10000xf32, #tpu.memory_space<hbm>>
    tpu.wait_dma2 semaphore(%arg20 : memref<!tpu.dma_semaphore, #tpu.memory_space<semaphore_mem>>) src(%dma_wait3A_19 : memref<10000xf32, #tpu.memory_space<hbm>>) dst(%arg13 : memref<10000xf32, #tpu.memory_space<vmem>>)
    tpu.wait_dma2 semaphore(%arg20 : memref<!tpu.dma_semaphore, #tpu.memory_space<semaphore_mem>>) src(%arg7 : memref<2560xi32, #tpu.memory_space<hbm>>) dst(%arg14 : memref<2560xi32, #tpu.memory_space<vmem>>)
    %parallel_loop3A_20 = arith.constant 0 : i32
    %parallel_loop3A_21 = arith.constant 625 : i32
    %parallel_loop3A_22 = arith.constant 1 : i32
    scf.for %parallel_loop3A_46 = %parallel_loop3A_20 to %parallel_loop3A_21 step %parallel_loop3A_22  : i32 {
      %parallel_loop3A_47 = arith.constant 16 : i32
      %parallel_loop3A_48 = arith.muli %parallel_loop3A_46, %parallel_loop3A_47 : i32
      %parallel_loop3A_49 = arith.index_cast %parallel_loop3A_48 : i32 to index
      %parallel_loop3A_50 = tpu.vector_load %arg11[%parallel_loop3A_49] {strides = array<i32>} : memref<10000xi32, #tpu.memory_space<vmem>>, vector<16xi32>,
      %parallel_loop3A_51 = arith.index_cast %parallel_loop3A_48 : i32 to index
      %parallel_loop3A_52 = tpu.vector_load %arg12[%parallel_loop3A_51] {strides = array<i32>} : memref<10000xi32, #tpu.memory_space<vmem>>, vector<16xi32>,
      %parallel_loop3A_53 = arith.index_cast %parallel_loop3A_48 : i32 to index
      %parallel_loop3A_54 = tpu.vector_load %arg13[%parallel_loop3A_53] {strides = array<i32>} : memref<10000xf32, #tpu.memory_space<vmem>>, vector<16xf32>,
      %parallel_loop3A_55 = arith.constant 4 : i32
      %parallel_loop3A_56 = vector.broadcast %parallel_loop3A_55 : i32 to vector<16xi32>
      %parallel_loop3A_57 = arith.shrui %parallel_loop3A_52, %parallel_loop3A_56 : vector<16xi32>
      %parallel_loop3A_58 = arith.constant 15 : i32
      %parallel_loop3A_59 = vector.broadcast %parallel_loop3A_58 : i32 to vector<16xi32>
      %parallel_loop3A_60 = arith.andi %parallel_loop3A_52, %parallel_loop3A_59 : vector<16xi32>
      %parallel_loop3A_61 = arith.constant 0 : i32
      %parallel_loop3A_62 = vector.broadcast %parallel_loop3A_61 : i32 to vector<16xi32>
      %parallel_loop3A_63 = arith.addi %parallel_loop3A_50, %parallel_loop3A_62 : vector<16xi32>
      %parallel_loop3A_64 = tpu.vector_load_idx %arg9[%parallel_loop3A_63] : memref<40000xf32, #tpu.memory_space<vmem>>[vector<16xi32>], vector<16xf32>,
      %parallel_loop3A_65 = arith.constant 0 : i32
      %parallel_loop3A_66 = vector.broadcast %parallel_loop3A_65 : i32 to vector<16xi32>
      %parallel_loop3A_67 = arith.addi %parallel_loop3A_57, %parallel_loop3A_66 : vector<16xi32>
      %parallel_loop3A_68 = arith.mulf %parallel_loop3A_64, %parallel_loop3A_54 : vector<16xf32>
      tpu.vector_store_idx %arg10[%parallel_loop3A_67, %parallel_loop3A_60], %parallel_loop3A_68 {add = true} : memref<2560x16xf32, #tpu.memory_space<vmem>>[vector<16xi32>, vector<16xi32>], vector<16xf32>,
      %parallel_loop3A_69 = arith.constant 10000 : i32
      %parallel_loop3A_70 = vector.broadcast %parallel_loop3A_69 : i32 to vector<16xi32>
      %parallel_loop3A_71 = arith.addi %parallel_loop3A_50, %parallel_loop3A_70 : vector<16xi32>
      %parallel_loop3A_72 = tpu.vector_load_idx %arg9[%parallel_loop3A_71] : memref<40000xf32, #tpu.memory_space<vmem>>[vector<16xi32>], vector<16xf32>,
      %parallel_loop3A_73 = arith.constant 640 : i32
      %parallel_loop3A_74 = vector.broadcast %parallel_loop3A_73 : i32 to vector<16xi32>
      %parallel_loop3A_75 = arith.addi %parallel_loop3A_57, %parallel_loop3A_74 : vector<16xi32>
      %parallel_loop3A_76 = arith.mulf %parallel_loop3A_72, %parallel_loop3A_54 : vector<16xf32>
      tpu.vector_store_idx %arg10[%parallel_loop3A_75, %parallel_loop3A_60], %parallel_loop3A_76 {add = true} : memref<2560x16xf32, #tpu.memory_space<vmem>>[vector<16xi32>, vector<16xi32>], vector<16xf32>,
      %parallel_loop3A_77 = arith.constant 20000 : i32
      %parallel_loop3A_78 = vector.broadcast %parallel_loop3A_77 : i32 to vector<16xi32>
      %parallel_loop3A_79 = arith.addi %parallel_loop3A_50, %parallel_loop3A_78 : vector<16xi32>
      %parallel_loop3A_80 = tpu.vector_load_idx %arg9[%parallel_loop3A_79] : memref<40000xf32, #tpu.memory_space<vmem>>[vector<16xi32>], vector<16xf32>,
      %parallel_loop3A_81 = arith.constant 1280 : i32
      %parallel_loop3A_82 = vector.broadcast %parallel_loop3A_81 : i32 to vector<16xi32>
      %parallel_loop3A_83 = arith.addi %parallel_loop3A_57, %parallel_loop3A_82 : vector<16xi32>
      %parallel_loop3A_84 = arith.mulf %parallel_loop3A_80, %parallel_loop3A_54 : vector<16xf32>
      tpu.vector_store_idx %arg10[%parallel_loop3A_83, %parallel_loop3A_60], %parallel_loop3A_84 {add = true} : memref<2560x16xf32, #tpu.memory_space<vmem>>[vector<16xi32>, vector<16xi32>], vector<16xf32>,
      %parallel_loop3A_85 = arith.constant 30000 : i32
      %parallel_loop3A_86 = vector.broadcast %parallel_loop3A_85 : i32 to vector<16xi32>
      %parallel_loop3A_87 = arith.addi %parallel_loop3A_50, %parallel_loop3A_86 : vector<16xi32>
      %parallel_loop3A_88 = tpu.vector_load_idx %arg9[%parallel_loop3A_87] : memref<40000xf32, #tpu.memory_space<vmem>>[vector<16xi32>], vector<16xf32>,
      %parallel_loop3A_89 = arith.constant 1920 : i32
      %parallel_loop3A_90 = vector.broadcast %parallel_loop3A_89 : i32 to vector<16xi32>
      %parallel_loop3A_91 = arith.addi %parallel_loop3A_57, %parallel_loop3A_90 : vector<16xi32>
      %parallel_loop3A_92 = arith.mulf %parallel_loop3A_88, %parallel_loop3A_54 : vector<16xf32>
      tpu.vector_store_idx %arg10[%parallel_loop3A_91, %parallel_loop3A_60], %parallel_loop3A_92 {add = true} : memref<2560x16xf32, #tpu.memory_space<vmem>>[vector<16xi32>, vector<16xi32>], vector<16xf32>,
    } {sc.loop_unroll_factor = 5 : i64, sc.parallel_access}
    "tpu.region"() ({
      %run_scoped3A = tpu.sem_alloc : memref<!tpu.dma_semaphore, #tpu.memory_space<semaphore_mem>>
      %dma_start3A_46 = arith.constant 0 : i32
      %dma_start3A_47 = arith.constant 0 : i32
      %dma_start3A_48 = tpu.memref_slice %arg18[%dma_start3A_46, %dma_start3A_47] : memref<2560x16xf32, #tpu.memory_space<vmem_shared>> -> memref<2560x16xf32, #tpu.memory_space<vmem_shared>>
      tpu.enqueue_indirect_dma source(%arg10 : memref<2560x16xf32, #tpu.memory_space<vmem>>) target(%dma_start3A_48 : memref<2560x16xf32, #tpu.memory_space<vmem_shared>>) offsets(%arg14 : memref<2560xi32, #tpu.memory_space<vmem>>) semaphore(%run_scoped3A : memref<!tpu.dma_semaphore, #tpu.memory_space<semaphore_mem>>) {add = true}
      %dma_wait3A_49 = arith.constant 0 : i32
      %dma_wait3A_50 = arith.constant 0 : i32
      %dma_wait3A_51 = tpu.memref_slice %arg18[%dma_wait3A_49, %dma_wait3A_50] : memref<2560x16xf32, #tpu.memory_space<vmem_shared>> -> memref<2560x16xf32, #tpu.memory_space<vmem_shared>>
      tpu.wait_indirect_dma semaphore(%run_scoped3A : memref<!tpu.dma_semaphore, #tpu.memory_space<semaphore_mem>>) src(%arg10 : memref<2560x16xf32, #tpu.memory_space<vmem>>) dst(%dma_wait3A_51 : memref<2560x16xf32, #tpu.memory_space<vmem_shared>>)
      tpu.yield
    }) : () -> ()
    %barrier3A_23 = arith.constant 0 : index
    tpu.barrier barrier_id(%barrier3A_23)
    %mul3A_24 = arith.constant 640 : i32
    %mul3A_25 = arith.muli %arg1, %mul3A_24 : i32
    "tpu.region"() ({
      %run_scoped3A = tpu.sem_alloc : memref<!tpu.dma_semaphore, #tpu.memory_space<semaphore_mem>>
      %dma_start3A_46 = tpu.memref_slice %arg6[%mul3A_25] : memref<10240xf32, #tpu.memory_space<hbm>> -> memref<640xf32, #tpu.memory_space<hbm>>
      %dma_start3A_47 = tpu.memref_slice %arg6[%mul3A_25] : memref<10240xf32, #tpu.memory_space<hbm>> -> memref<640xf32, #tpu.memory_space<hbm>>
      tpu.enqueue_dma source(%dma_start3A_47 : memref<640xf32, #tpu.memory_space<hbm>>) target(%arg17 : memref<640xf32, #tpu.memory_space<vmem>>) target_semaphore(%run_scoped3A : memref<!tpu.dma_semaphore, #tpu.memory_space<semaphore_mem>>)
      %dma_wait3A_48 = tpu.memref_slice %arg6[%mul3A_25] : memref<10240xf32, #tpu.memory_space<hbm>> -> memref<640xf32, #tpu.memory_space<hbm>>
      %dma_wait3A_49 = tpu.memref_slice %arg6[%mul3A_25] : memref<10240xf32, #tpu.memory_space<hbm>> -> memref<640xf32, #tpu.memory_space<hbm>>
      tpu.wait_dma2 semaphore(%run_scoped3A : memref<!tpu.dma_semaphore, #tpu.memory_space<semaphore_mem>>) src(%dma_wait3A_49 : memref<640xf32, #tpu.memory_space<hbm>>) dst(%arg17 : memref<640xf32, #tpu.memory_space<vmem>>)
      tpu.yield
    }) : () -> ()
    %mul3A_26 = arith.constant 40 : i32
    %mul3A_27 = arith.muli %arg1, %mul3A_26 : i32
    %add3A = arith.constant 0 : i32
    %add3A_28 = arith.addi %add3A, %mul3A_27 : i32
    "tpu.region"() ({
      %run_scoped3A = tpu.sem_alloc : memref<!tpu.dma_semaphore, #tpu.memory_space<semaphore_mem>>
      %dma_start3A_46 = arith.constant 0 : i32
      %dma_start3A_47 = arith.constant 0 : i32
      %dma_start3A_48 = tpu.memref_slice %arg15[%dma_start3A_46, %dma_start3A_47] : memref<160x16xf32, #tpu.memory_space<vmem>> -> memref<40x16xf32, #tpu.memory_space<vmem>>
      %dma_start3A_49 = arith.constant 0 : i32
      %dma_start3A_50 = tpu.memref_slice %arg18[%add3A_28, %dma_start3A_49] : memref<2560x16xf32, #tpu.memory_space<vmem_shared>> -> memref<40x16xf32, #tpu.memory_space<vmem_shared>>
      %dma_start3A_51 = arith.constant 0 : i32
      %dma_start3A_52 = arith.constant 0 : i32
      %dma_start3A_53 = tpu.memref_slice %arg15[%dma_start3A_51, %dma_start3A_52] : memref<160x16xf32, #tpu.memory_space<vmem>> -> memref<40x16xf32, #tpu.memory_space<vmem>>
      %dma_start3A_54 = arith.constant 0 : i32
      %dma_start3A_55 = tpu.memref_slice %arg18[%add3A_28, %dma_start3A_54] : memref<2560x16xf32, #tpu.memory_space<vmem_shared>> -> memref<40x16xf32, #tpu.memory_space<vmem_shared>>
      tpu.enqueue_dma source(%dma_start3A_55 : memref<40x16xf32, #tpu.memory_space<vmem_shared>>) target(%dma_start3A_53 : memref<40x16xf32, #tpu.memory_space<vmem>>) target_semaphore(%run_scoped3A : memref<!tpu.dma_semaphore, #tpu.memory_space<semaphore_mem>>)
      %dma_wait3A_56 = arith.constant 0 : i32
      %dma_wait3A_57 = arith.constant 0 : i32
      %dma_wait3A_58 = tpu.memref_slice %arg15[%dma_wait3A_56, %dma_wait3A_57] : memref<160x16xf32, #tpu.memory_space<vmem>> -> memref<40x16xf32, #tpu.memory_space<vmem>>
      %dma_wait3A_59 = arith.constant 0 : i32
      %dma_wait3A_60 = tpu.memref_slice %arg18[%add3A_28, %dma_wait3A_59] : memref<2560x16xf32, #tpu.memory_space<vmem_shared>> -> memref<40x16xf32, #tpu.memory_space<vmem_shared>>
      %dma_wait3A_61 = arith.constant 0 : i32
      %dma_wait3A_62 = arith.constant 0 : i32
      %dma_wait3A_63 = tpu.memref_slice %arg15[%dma_wait3A_61, %dma_wait3A_62] : memref<160x16xf32, #tpu.memory_space<vmem>> -> memref<40x16xf32, #tpu.memory_space<vmem>>
      %dma_wait3A_64 = arith.constant 0 : i32
      %dma_wait3A_65 = tpu.memref_slice %arg18[%add3A_28, %dma_wait3A_64] : memref<2560x16xf32, #tpu.memory_space<vmem_shared>> -> memref<40x16xf32, #tpu.memory_space<vmem_shared>>
      tpu.wait_dma2 semaphore(%run_scoped3A : memref<!tpu.dma_semaphore, #tpu.memory_space<semaphore_mem>>) src(%dma_wait3A_65 : memref<40x16xf32, #tpu.memory_space<vmem_shared>>) dst(%dma_wait3A_63 : memref<40x16xf32, #tpu.memory_space<vmem>>)
      tpu.yield
    }) : () -> ()
    %mul3A_29 = arith.constant 40 : i32
    %mul3A_30 = arith.muli %arg1, %mul3A_29 : i32
    %add3A_31 = arith.constant 640 : i32
    %add3A_32 = arith.addi %add3A_31, %mul3A_30 : i32
    "tpu.region"() ({
      %run_scoped3A = tpu.sem_alloc : memref<!tpu.dma_semaphore, #tpu.memory_space<semaphore_mem>>
      %dma_start3A_46 = arith.constant 40 : i32
      %dma_start3A_47 = arith.constant 0 : i32
      %dma_start3A_48 = tpu.memref_slice %arg15[%dma_start3A_46, %dma_start3A_47] : memref<160x16xf32, #tpu.memory_space<vmem>> -> memref<40x16xf32, #tpu.memory_space<vmem>>
      %dma_start3A_49 = arith.constant 0 : i32
      %dma_start3A_50 = tpu.memref_slice %arg18[%add3A_32, %dma_start3A_49] : memref<2560x16xf32, #tpu.memory_space<vmem_shared>> -> memref<40x16xf32, #tpu.memory_space<vmem_shared>>
      %dma_start3A_51 = arith.constant 40 : i32
      %dma_start3A_52 = arith.constant 0 : i32
      %dma_start3A_53 = tpu.memref_slice %arg15[%dma_start3A_51, %dma_start3A_52] : memref<160x16xf32, #tpu.memory_space<vmem>> -> memref<40x16xf32, #tpu.memory_space<vmem>>
      %dma_start3A_54 = arith.constant 0 : i32
      %dma_start3A_55 = tpu.memref_slice %arg18[%add3A_32, %dma_start3A_54] : memref<2560x16xf32, #tpu.memory_space<vmem_shared>> -> memref<40x16xf32, #tpu.memory_space<vmem_shared>>
      tpu.enqueue_dma source(%dma_start3A_55 : memref<40x16xf32, #tpu.memory_space<vmem_shared>>) target(%dma_start3A_53 : memref<40x16xf32, #tpu.memory_space<vmem>>) target_semaphore(%run_scoped3A : memref<!tpu.dma_semaphore, #tpu.memory_space<semaphore_mem>>)
      %dma_wait3A_56 = arith.constant 40 : i32
      %dma_wait3A_57 = arith.constant 0 : i32
      %dma_wait3A_58 = tpu.memref_slice %arg15[%dma_wait3A_56, %dma_wait3A_57] : memref<160x16xf32, #tpu.memory_space<vmem>> -> memref<40x16xf32, #tpu.memory_space<vmem>>
      %dma_wait3A_59 = arith.constant 0 : i32
      %dma_wait3A_60 = tpu.memref_slice %arg18[%add3A_32, %dma_wait3A_59] : memref<2560x16xf32, #tpu.memory_space<vmem_shared>> -> memref<40x16xf32, #tpu.memory_space<vmem_shared>>
      %dma_wait3A_61 = arith.constant 40 : i32
      %dma_wait3A_62 = arith.constant 0 : i32
      %dma_wait3A_63 = tpu.memref_slice %arg15[%dma_wait3A_61, %dma_wait3A_62] : memref<160x16xf32, #tpu.memory_space<vmem>> -> memref<40x16xf32, #tpu.memory_space<vmem>>
      %dma_wait3A_64 = arith.constant 0 : i32
      %dma_wait3A_65 = tpu.memref_slice %arg18[%add3A_32, %dma_wait3A_64] : memref<2560x16xf32, #tpu.memory_space<vmem_shared>> -> memref<40x16xf32, #tpu.memory_space<vmem_shared>>
      tpu.wait_dma2 semaphore(%run_scoped3A : memref<!tpu.dma_semaphore, #tpu.memory_space<semaphore_mem>>) src(%dma_wait3A_65 : memref<40x16xf32, #tpu.memory_space<vmem_shared>>) dst(%dma_wait3A_63 : memref<40x16xf32, #tpu.memory_space<vmem>>)
      tpu.yield
    }) : () -> ()
    %mul3A_33 = arith.constant 40 : i32
    %mul3A_34 = arith.muli %arg1, %mul3A_33 : i32
    %add3A_35 = arith.constant 1280 : i32
    %add3A_36 = arith.addi %add3A_35, %mul3A_34 : i32
    "tpu.region"() ({
      %run_scoped3A = tpu.sem_alloc : memref<!tpu.dma_semaphore, #tpu.memory_space<semaphore_mem>>
      %dma_start3A_46 = arith.constant 80 : i32
      %dma_start3A_47 = arith.constant 0 : i32
      %dma_start3A_48 = tpu.memref_slice %arg15[%dma_start3A_46, %dma_start3A_47] : memref<160x16xf32, #tpu.memory_space<vmem>> -> memref<40x16xf32, #tpu.memory_space<vmem>>
      %dma_start3A_49 = arith.constant 0 : i32
      %dma_start3A_50 = tpu.memref_slice %arg18[%add3A_36, %dma_start3A_49] : memref<2560x16xf32, #tpu.memory_space<vmem_shared>> -> memref<40x16xf32, #tpu.memory_space<vmem_shared>>
      %dma_start3A_51 = arith.constant 80 : i32
      %dma_start3A_52 = arith.constant 0 : i32
      %dma_start3A_53 = tpu.memref_slice %arg15[%dma_start3A_51, %dma_start3A_52] : memref<160x16xf32, #tpu.memory_space<vmem>> -> memref<40x16xf32, #tpu.memory_space<vmem>>
      %dma_start3A_54 = arith.constant 0 : i32
      %dma_start3A_55 = tpu.memref_slice %arg18[%add3A_36, %dma_start3A_54] : memref<2560x16xf32, #tpu.memory_space<vmem_shared>> -> memref<40x16xf32, #tpu.memory_space<vmem_shared>>
      tpu.enqueue_dma source(%dma_start3A_55 : memref<40x16xf32, #tpu.memory_space<vmem_shared>>) target(%dma_start3A_53 : memref<40x16xf32, #tpu.memory_space<vmem>>) target_semaphore(%run_scoped3A : memref<!tpu.dma_semaphore, #tpu.memory_space<semaphore_mem>>)
      %dma_wait3A_56 = arith.constant 80 : i32
      %dma_wait3A_57 = arith.constant 0 : i32
      %dma_wait3A_58 = tpu.memref_slice %arg15[%dma_wait3A_56, %dma_wait3A_57] : memref<160x16xf32, #tpu.memory_space<vmem>> -> memref<40x16xf32, #tpu.memory_space<vmem>>
      %dma_wait3A_59 = arith.constant 0 : i32
      %dma_wait3A_60 = tpu.memref_slice %arg18[%add3A_36, %dma_wait3A_59] : memref<2560x16xf32, #tpu.memory_space<vmem_shared>> -> memref<40x16xf32, #tpu.memory_space<vmem_shared>>
      %dma_wait3A_61 = arith.constant 80 : i32
      %dma_wait3A_62 = arith.constant 0 : i32
      %dma_wait3A_63 = tpu.memref_slice %arg15[%dma_wait3A_61, %dma_wait3A_62] : memref<160x16xf32, #tpu.memory_space<vmem>> -> memref<40x16xf32, #tpu.memory_space<vmem>>
      %dma_wait3A_64 = arith.constant 0 : i32
      %dma_wait3A_65 = tpu.memref_slice %arg18[%add3A_36, %dma_wait3A_64] : memref<2560x16xf32, #tpu.memory_space<vmem_shared>> -> memref<40x16xf32, #tpu.memory_space<vmem_shared>>
      tpu.wait_dma2 semaphore(%run_scoped3A : memref<!tpu.dma_semaphore, #tpu.memory_space<semaphore_mem>>) src(%dma_wait3A_65 : memref<40x16xf32, #tpu.memory_space<vmem_shared>>) dst(%dma_wait3A_63 : memref<40x16xf32, #tpu.memory_space<vmem>>)
      tpu.yield
    }) : () -> ()
    %mul3A_37 = arith.constant 40 : i32
    %mul3A_38 = arith.muli %arg1, %mul3A_37 : i32
    %add3A_39 = arith.constant 1920 : i32
    %add3A_40 = arith.addi %add3A_39, %mul3A_38 : i32
    "tpu.region"() ({
      %run_scoped3A = tpu.sem_alloc : memref<!tpu.dma_semaphore, #tpu.memory_space<semaphore_mem>>
      %dma_start3A_46 = arith.constant 120 : i32
      %dma_start3A_47 = arith.constant 0 : i32
      %dma_start3A_48 = tpu.memref_slice %arg15[%dma_start3A_46, %dma_start3A_47] : memref<160x16xf32, #tpu.memory_space<vmem>> -> memref<40x16xf32, #tpu.memory_space<vmem>>
      %dma_start3A_49 = arith.constant 0 : i32
      %dma_start3A_50 = tpu.memref_slice %arg18[%add3A_40, %dma_start3A_49] : memref<2560x16xf32, #tpu.memory_space<vmem_shared>> -> memref<40x16xf32, #tpu.memory_space<vmem_shared>>
      %dma_start3A_51 = arith.constant 120 : i32
      %dma_start3A_52 = arith.constant 0 : i32
      %dma_start3A_53 = tpu.memref_slice %arg15[%dma_start3A_51, %dma_start3A_52] : memref<160x16xf32, #tpu.memory_space<vmem>> -> memref<40x16xf32, #tpu.memory_space<vmem>>
      %dma_start3A_54 = arith.constant 0 : i32
      %dma_start3A_55 = tpu.memref_slice %arg18[%add3A_40, %dma_start3A_54] : memref<2560x16xf32, #tpu.memory_space<vmem_shared>> -> memref<40x16xf32, #tpu.memory_space<vmem_shared>>
      tpu.enqueue_dma source(%dma_start3A_55 : memref<40x16xf32, #tpu.memory_space<vmem_shared>>) target(%dma_start3A_53 : memref<40x16xf32, #tpu.memory_space<vmem>>) target_semaphore(%run_scoped3A : memref<!tpu.dma_semaphore, #tpu.memory_space<semaphore_mem>>)
      %dma_wait3A_56 = arith.constant 120 : i32
      %dma_wait3A_57 = arith.constant 0 : i32
      %dma_wait3A_58 = tpu.memref_slice %arg15[%dma_wait3A_56, %dma_wait3A_57] : memref<160x16xf32, #tpu.memory_space<vmem>> -> memref<40x16xf32, #tpu.memory_space<vmem>>
      %dma_wait3A_59 = arith.constant 0 : i32
      %dma_wait3A_60 = tpu.memref_slice %arg18[%add3A_40, %dma_wait3A_59] : memref<2560x16xf32, #tpu.memory_space<vmem_shared>> -> memref<40x16xf32, #tpu.memory_space<vmem_shared>>
      %dma_wait3A_61 = arith.constant 120 : i32
      %dma_wait3A_62 = arith.constant 0 : i32
      %dma_wait3A_63 = tpu.memref_slice %arg15[%dma_wait3A_61, %dma_wait3A_62] : memref<160x16xf32, #tpu.memory_space<vmem>> -> memref<40x16xf32, #tpu.memory_space<vmem>>
      %dma_wait3A_64 = arith.constant 0 : i32
      %dma_wait3A_65 = tpu.memref_slice %arg18[%add3A_40, %dma_wait3A_64] : memref<2560x16xf32, #tpu.memory_space<vmem_shared>> -> memref<40x16xf32, #tpu.memory_space<vmem_shared>>
      tpu.wait_dma2 semaphore(%run_scoped3A : memref<!tpu.dma_semaphore, #tpu.memory_space<semaphore_mem>>) src(%dma_wait3A_65 : memref<40x16xf32, #tpu.memory_space<vmem_shared>>) dst(%dma_wait3A_63 : memref<40x16xf32, #tpu.memory_space<vmem>>)
      tpu.yield
    }) : () -> ()
    %parallel_loop3A_41 = arith.constant 0 : i32
    %parallel_loop3A_42 = arith.constant 40 : i32
    %parallel_loop3A_43 = arith.constant 1 : i32
    scf.for %parallel_loop3A_46 = %parallel_loop3A_41 to %parallel_loop3A_42 step %parallel_loop3A_43  : i32 {
      %parallel_loop3A_47 = arith.constant 16 : i32
      %parallel_loop3A_48 = arith.muli %parallel_loop3A_46, %parallel_loop3A_47 : i32
      %parallel_loop3A_49 = arith.constant 0 : i32
      %parallel_loop3A_50 = arith.addi %parallel_loop3A_49, %parallel_loop3A_46 : i32
      %parallel_loop3A_51 = arith.index_cast %parallel_loop3A_50 : i32 to index
      %parallel_loop3A_52 = arith.constant 0 : index
      %parallel_loop3A_53 = tpu.vector_load %arg15[%parallel_loop3A_51, %parallel_loop3A_52] {strides = array<i32>} : memref<160x16xf32, #tpu.memory_space<vmem>>, vector<16xf32>,
      %parallel_loop3A_54 = arith.index_cast %parallel_loop3A_48 : i32 to index
      %parallel_loop3A_55 = tpu.vector_load %arg17[%parallel_loop3A_54] {strides = array<i32>} : memref<640xf32, #tpu.memory_space<vmem>>, vector<16xf32>,
      %parallel_loop3A_56 = arith.addf %parallel_loop3A_53, %parallel_loop3A_55 : vector<16xf32>
      %parallel_loop3A_57 = arith.constant 0.000000e+00 : f32
      %parallel_loop3A_58 = vector.broadcast %parallel_loop3A_57 : f32 to vector<16xf32>
      %parallel_loop3A_59 = arith.maximumf %parallel_loop3A_56, %parallel_loop3A_58 : vector<16xf32>
      %parallel_loop3A_60 = arith.constant 0 : i32
      %parallel_loop3A_61 = arith.index_cast %parallel_loop3A_60 : i32 to index
      %parallel_loop3A_62 = arith.index_cast %parallel_loop3A_48 : i32 to index
      %parallel_loop3A_63 = tpu.vector_load %arg16[%parallel_loop3A_61, %parallel_loop3A_62] {strides = array<i32>} : memref<4x640xf32, #tpu.memory_space<vmem>>, vector<16xf32>,
      tpu.vector_store %arg16[%parallel_loop3A_61, %parallel_loop3A_62], %parallel_loop3A_59 {strides = array<i32>} : memref<4x640xf32, #tpu.memory_space<vmem>>, vector<16xf32>,
      %parallel_loop3A_64 = arith.constant 40 : i32
      %parallel_loop3A_65 = arith.addi %parallel_loop3A_64, %parallel_loop3A_46 : i32
      %parallel_loop3A_66 = arith.index_cast %parallel_loop3A_65 : i32 to index
      %parallel_loop3A_67 = arith.constant 0 : index
      %parallel_loop3A_68 = tpu.vector_load %arg15[%parallel_loop3A_66, %parallel_loop3A_67] {strides = array<i32>} : memref<160x16xf32, #tpu.memory_space<vmem>>, vector<16xf32>,
      %parallel_loop3A_69 = arith.index_cast %parallel_loop3A_48 : i32 to index
      %parallel_loop3A_70 = tpu.vector_load %arg17[%parallel_loop3A_69] {strides = array<i32>} : memref<640xf32, #tpu.memory_space<vmem>>, vector<16xf32>,
      %parallel_loop3A_71 = arith.addf %parallel_loop3A_68, %parallel_loop3A_70 : vector<16xf32>
      %parallel_loop3A_72 = arith.constant 0.000000e+00 : f32
      %parallel_loop3A_73 = vector.broadcast %parallel_loop3A_72 : f32 to vector<16xf32>
      %parallel_loop3A_74 = arith.maximumf %parallel_loop3A_71, %parallel_loop3A_73 : vector<16xf32>
      %parallel_loop3A_75 = arith.constant 1 : i32
      %parallel_loop3A_76 = arith.index_cast %parallel_loop3A_75 : i32 to index
      %parallel_loop3A_77 = arith.index_cast %parallel_loop3A_48 : i32 to index
      %parallel_loop3A_78 = tpu.vector_load %arg16[%parallel_loop3A_76, %parallel_loop3A_77] {strides = array<i32>} : memref<4x640xf32, #tpu.memory_space<vmem>>, vector<16xf32>,
      tpu.vector_store %arg16[%parallel_loop3A_76, %parallel_loop3A_77], %parallel_loop3A_74 {strides = array<i32>} : memref<4x640xf32, #tpu.memory_space<vmem>>, vector<16xf32>,
      %parallel_loop3A_79 = arith.constant 80 : i32
      %parallel_loop3A_80 = arith.addi %parallel_loop3A_79, %parallel_loop3A_46 : i32
      %parallel_loop3A_81 = arith.index_cast %parallel_loop3A_80 : i32 to index
      %parallel_loop3A_82 = arith.constant 0 : index
      %parallel_loop3A_83 = tpu.vector_load %arg15[%parallel_loop3A_81, %parallel_loop3A_82] {strides = array<i32>} : memref<160x16xf32, #tpu.memory_space<vmem>>, vector<16xf32>,
      %parallel_loop3A_84 = arith.index_cast %parallel_loop3A_48 : i32 to index
      %parallel_loop3A_85 = tpu.vector_load %arg17[%parallel_loop3A_84] {strides = array<i32>} : memref<640xf32, #tpu.memory_space<vmem>>, vector<16xf32>,
      %parallel_loop3A_86 = arith.addf %parallel_loop3A_83, %parallel_loop3A_85 : vector<16xf32>
      %parallel_loop3A_87 = arith.constant 0.000000e+00 : f32
      %parallel_loop3A_88 = vector.broadcast %parallel_loop3A_87 : f32 to vector<16xf32>
      %parallel_loop3A_89 = arith.maximumf %parallel_loop3A_86, %parallel_loop3A_88 : vector<16xf32>
      %parallel_loop3A_90 = arith.constant 2 : i32
      %parallel_loop3A_91 = arith.index_cast %parallel_loop3A_90 : i32 to index
      %parallel_loop3A_92 = arith.index_cast %parallel_loop3A_48 : i32 to index
      %parallel_loop3A_93 = tpu.vector_load %arg16[%parallel_loop3A_91, %parallel_loop3A_92] {strides = array<i32>} : memref<4x640xf32, #tpu.memory_space<vmem>>, vector<16xf32>,
      tpu.vector_store %arg16[%parallel_loop3A_91, %parallel_loop3A_92], %parallel_loop3A_89 {strides = array<i32>} : memref<4x640xf32, #tpu.memory_space<vmem>>, vector<16xf32>,
      %parallel_loop3A_94 = arith.constant 120 : i32
      %parallel_loop3A_95 = arith.addi %parallel_loop3A_94, %parallel_loop3A_46 : i32
      %parallel_loop3A_96 = arith.index_cast %parallel_loop3A_95 : i32 to index
      %parallel_loop3A_97 = arith.constant 0 : index
      %parallel_loop3A_98 = tpu.vector_load %arg15[%parallel_loop3A_96, %parallel_loop3A_97] {strides = array<i32>} : memref<160x16xf32, #tpu.memory_space<vmem>>, vector<16xf32>,
      %parallel_loop3A_99 = arith.index_cast %parallel_loop3A_48 : i32 to index
      %parallel_loop3A_100 = tpu.vector_load %arg17[%parallel_loop3A_99] {strides = array<i32>} : memref<640xf32, #tpu.memory_space<vmem>>, vector<16xf32>,
      %parallel_loop3A_101 = arith.addf %parallel_loop3A_98, %parallel_loop3A_100 : vector<16xf32>
      %parallel_loop3A_102 = arith.constant 0.000000e+00 : f32
      %parallel_loop3A_103 = vector.broadcast %parallel_loop3A_102 : f32 to vector<16xf32>
      %parallel_loop3A_104 = arith.maximumf %parallel_loop3A_101, %parallel_loop3A_103 : vector<16xf32>
      %parallel_loop3A_105 = arith.constant 3 : i32
      %parallel_loop3A_106 = arith.index_cast %parallel_loop3A_105 : i32 to index
      %parallel_loop3A_107 = arith.index_cast %parallel_loop3A_48 : i32 to index
      %parallel_loop3A_108 = tpu.vector_load %arg16[%parallel_loop3A_106, %parallel_loop3A_107] {strides = array<i32>} : memref<4x640xf32, #tpu.memory_space<vmem>>, vector<16xf32>,
      tpu.vector_store %arg16[%parallel_loop3A_106, %parallel_loop3A_107], %parallel_loop3A_104 {strides = array<i32>} : memref<4x640xf32, #tpu.memory_space<vmem>>, vector<16xf32>,
    } {sc.loop_unroll_factor = 4 : i64, sc.parallel_access}
    %mul3A_44 = arith.constant 4 : i32
    %mul3A_45 = arith.muli %arg0, %mul3A_44 : i32
    "tpu.region"() ({
      %run_scoped3A = tpu.sem_alloc : memref<!tpu.dma_semaphore, #tpu.memory_space<semaphore_mem>>
      %dma_start3A_46 = tpu.memref_slice %arg8[%mul3A_45, %mul3A_25] : memref<8x10240xf32, #tpu.memory_space<hbm>> -> memref<4x640xf32, #tpu.memory_space<hbm>>
      %dma_start3A_47 = tpu.memref_slice %arg8[%mul3A_45, %mul3A_25] : memref<8x10240xf32, #tpu.memory_space<hbm>> -> memref<4x640xf32, #tpu.memory_space<hbm>>
      tpu.enqueue_dma source(%arg16 : memref<4x640xf32, #tpu.memory_space<vmem>>) target(%dma_start3A_47 : memref<4x640xf32, #tpu.memory_space<hbm>>) target_semaphore(%run_scoped3A : memref<!tpu.dma_semaphore, #tpu.memory_space<semaphore_mem>>)
      %dma_wait3A_48 = tpu.memref_slice %arg8[%mul3A_45, %mul3A_25] : memref<8x10240xf32, #tpu.memory_space<hbm>> -> memref<4x640xf32, #tpu.memory_space<hbm>>
      %dma_wait3A_49 = tpu.memref_slice %arg8[%mul3A_45, %mul3A_25] : memref<8x10240xf32, #tpu.memory_space<hbm>> -> memref<4x640xf32, #tpu.memory_space<hbm>>
      tpu.wait_dma2 semaphore(%run_scoped3A : memref<!tpu.dma_semaphore, #tpu.memory_space<semaphore_mem>>) src(%arg16 : memref<4x640xf32, #tpu.memory_space<vmem>>) dst(%dma_wait3A_49 : memref<4x640xf32, #tpu.memory_space<hbm>>)
      tpu.yield
    }) : () -> ()
    return
  }
}

</mosaic_0001>

<sc_bundles>
// kernel: kernel.3.cloned.1.call-start
scs
__scs_entry_jumppad:
0x0: {  	(pc) =	sbr.rel $0x88, $3  }
0x1: {  	(tag) =	ssettag $0x0;
	lr =	simm.s32 $0x1  }
0x2: {  	[smem:$0x3F9B] =	sst lr;
	_ =	strace $0xD0000000  }
0x3: {  	_ = 	snop  }
0x4: {  	_ = 	snop  }
0x5: {  	_ = 	snop  }
0x6: {  	_ = 	snop  }
0x7: {  	_ = 	snop  }
__scs_overlays_trampoline_lowered:
0x8: {  	[smem:$0x3FAA] =	sst s0  }
0x9: {  	[smem:$0x3FAB] =	sst s1  }
0xa: {  	[smem:$0x3FAC] =	sst s2  }
0xb: {  	[smem:$0x3FAD] =	sst s3  }
0xc: {  	[smem:$0x3FAE] =	sst s4  }
0xd: {  	[smem:$0x3FAF] =	sst s5  }
0xe: {  	[smem:$0x3FB0] =	sst s6  }
0xf: {  	[smem:$0x3FB1] =	sst s7  }
0x10: {  	[smem:$0x3FB2] =	sst s8  }
0x11: {  	[smem:$0x3FB3] =	sst s9;
	s0 =	simm.s32 @!p0 $0x0  }
0x12: {  	s1 =	sld [smem:$0x3F99];
	s0 =	simm.s32 @p0 $0x1  }
0x13: {  	[smem:$0x3FB4] =	sst s0;
	s0 =	simm.s32 @!p1 $0x0  }
0x14: {  	s2 =	sld [smem:$0x3F98];
	s0 =	simm.s32 @p1 $0x1  }
0x15: {  	[smem:$0x3FB5] =	sst s0;
	s0 =	simm.s32 @!p2 $0x0  }
0x16: {  	s3 =	sld [smem:$0x3FDB];
	s0 =	simm.s32 @p2 $0x1  }
0x17: {  	s4 =	simm.s32 $0x1BF5;
	[smem:$0x3FB7] =	sst s0  }
0x18: {  	s0 =	sld [smem:$0x3F9A];
	_ =	swait.ge [sflag:s4], $0x0  }
0x19: {  	s7 =	sld [smem:$0x3F9B]  }
0x1a: {  	s8 =	sadd.s32 $0xFFFFE003, lr  }
0x1b: {  	s9 =	sadd.s32 $0xFFFFFEF7, lr;
	s5 =	simm.s32 $0xFFFFFFFF;
	p2 =	slt.u32 s8, $0xFFFFF086  }
0x1c: {  	p1 =	slt.u32 s9, $0xF7A;
	s5 =	simm.s32 @!p2 $0x0  }
0x1d: {  	s5 =	simm.s32 @p1 $0x1;
	p0 =	seq.s32 s7, s2  }
0x1e: {  	s7 =	smul.u32 @!p0 $0xF7A, s2;
	p2 =	seq.s32 @!p0 s5, $0x0  }
0x1f: {  	s9 =	smul.u32 $0xF7A, s1;
	s8 =	simm.s32 @!p0 $0x1BF5;
	p2 =	por !p2, p0  }
0x20: {  	[sflag:s8] =	ssyncset.s32 @!p0 $0xFFFFF086;
	s6 =	sadd.s32 @!p0 s3, s7;
	s7 =	simm.s32 @!p0 $0x108  }
0x21: {  	s3 =	sadd.s32 s3, s9;
	s6 =	sadd.s32 @!p0 $0x88, s6;
	s7 =	simm.s32 @p2 $0x1082  }
0x22: {  	[simem:s7], [sflag:s8] =	dma.local @!p0 [hbm:s6], $0xF7A  }
0x23: {  	s9 =	sor.u32 $0xD0000000, s2;
	s6 =	simm.s32 $0x108;
	_ =	swait.ge @!p0 [sflag:s8], $0x0  }
0x24: {  	s3 =	sadd.s32 $0x88, s3;
	s6 =	simm.s32 @!p1 $0x1082;
	[sflag:s4] =	ssyncset.s32 $0xFFFFF086  }
0x25: {  	[simem:s6], [sflag:s4] =	dma.local [hbm:s3], $0xF7A  }
0x26: {  	[smem:$0x3F9B] =	sst s1;
	(tag) =	ssettag s2;
	_ =	strace s9  }
0x27: {  	s1 =	sld [smem:$0x3FAB]  }
0x28: {  	s2 =	sld [smem:$0x3FAC]  }
0x29: {  	s4 =	sld [smem:$0x3FAE]  }
0x2a: {  	p0 =	seq.s32 s5, $0x0;
	s5 =	sld [smem:$0x3FAF]  }
0x2b: {  	s6 =	sld [smem:$0x3FB0]  }
0x2c: {  	s7 =	sld [smem:$0x3FB1]  }
0x2d: {  	s3 =	simm.s32 $0x108;
	s8 =	sld [smem:$0x3FB2]  }
0x2e: {  	s3 =	simm.s32 @!p0 $0x1082;
	s9 =	sld [smem:$0x3FB3]  }
0x2f: {  	lr =	sadd.s32 s0, s3;
	s0 =	sld [smem:$0x3FAA]  }
0x30: {  	s3 =	sld [smem:$0x3FAD]  }
0x31: {  	[smem:$0x3FB6] =	sst s10  }
0x32: {  	s10 =	sld [smem:$0x3FB4];
	_ =	sdelay $0x3  }
0x33: {  	p0 =	seq.s32 s10, $0x1;
	s10 =	sld [smem:$0x3FB6];
	_ =	sdelay $0x3  }
0x34: {  	[smem:$0x3FB6] =	sst s10  }
0x35: {  	s10 =	sld [smem:$0x3FB5];
	_ =	sdelay $0x3  }
0x36: {  	p1 =	seq.s32 s10, $0x1;
	s10 =	sld [smem:$0x3FB6];
	_ =	sdelay $0x3  }
0x37: {  	[smem:$0x3FB6] =	sst s10  }
0x38: {  	s10 =	sld [smem:$0x3FB7]  }
0x39: {  	_ = 	snop;
	(pc) =	sbr.ind lr, $3  }
0x3a: {  	_ = 	snop  }
0x3b: {  	_ = 	snop  }
0x3c: {  	p2 =	seq.s32 s10, $0x1;
	s10 =	sld [smem:$0x3FB6]  }
0x3d: {  	_ =	shalt  }
0x3e: {  	_ =	shalt  }
0x3f: {  	_ =	shalt  }
0x40: {  	_ =	shalt  }
0x41: {  	_ =	shalt  }
0x42: {  	_ =	shalt  }
0x43: {  	_ =	shalt  }
0x44: {  	_ =	shalt  }
0x45: {  	_ =	shalt  }
0x46: {  	_ =	shalt  }
0x47: {  	_ =	shalt  }
0x48: {  	_ =	shalt  }
0x49: {  	_ =	shalt  }
0x4a: {  	_ =	shalt  }
0x4b: {  	_ =	shalt  }
0x4c: {  	_ =	shalt  }
0x4d: {  	_ =	shalt  }
0x4e: {  	_ =	shalt  }
0x4f: {  	_ =	shalt  }
0x50: {  	_ =	shalt  }
0x51: {  	_ =	shalt  }
0x52: {  	_ =	shalt  }
0x53: {  	_ =	shalt  }
0x54: {  	_ =	shalt  }
0x55: {  	_ =	shalt  }
0x56: {  	_ =	shalt  }
0x57: {  	_ =	shalt  }
0x58: {  	_ =	shalt  }
0x59: {  	_ =	shalt  }
0x5a: {  	_ =	shalt  }
0x5b: {  	_ =	shalt  }
0x5c: {  	_ =	shalt  }
0x5d: {  	_ =	shalt  }
0x5e: {  	_ =	shalt  }
0x5f: {  	_ =	shalt  }
0x60: {  	_ =	shalt  }
0x61: {  	_ =	shalt  }
0x62: {  	_ =	shalt  }
0x63: {  	_ =	shalt  }
0x64: {  	_ =	shalt  }
0x65: {  	_ =	shalt  }
0x66: {  	_ =	shalt  }
0x67: {  	_ =	shalt  }
0x68: {  	_ =	shalt  }
0x69: {  	_ =	shalt  }
0x6a: {  	_ =	shalt  }
0x6b: {  	_ =	shalt  }
0x6c: {  	_ =	shalt  }
0x6d: {  	_ =	shalt  }
0x6e: {  	_ =	shalt  }
0x6f: {  	_ =	shalt  }
0x70: {  	_ =	shalt  }
0x71: {  	_ =	shalt  }
0x72: {  	_ =	shalt  }
0x73: {  	_ =	shalt  }
0x74: {  	_ =	shalt  }
0x75: {  	_ =	shalt  }
0x76: {  	_ =	shalt  }
0x77: {  	_ =	shalt  }
0x78: {  	_ =	shalt  }
0x79: {  	_ =	shalt  }
0x7a: {  	_ =	shalt  }
0x7b: {  	_ =	shalt  }
0x7c: {  	_ =	shalt  }
0x7d: {  	_ =	shalt  }
0x7e: {  	_ =	shalt  }
0x7f: {  	_ =	shalt  }
0x80: {  	_ =	shalt  }
0x81: {  	_ =	shalt  }
0x82: {  	_ =	shalt  }
0x83: {  	_ =	shalt  }
0x84: {  	_ =	shalt  }
0x85: {  	_ =	shalt  }
0x86: {  	_ =	shalt  }
0x87: {  	_ =	shalt  }
.Lfunc_end0:
.L_simem_size_0:
called_computation_lowered:
.L_overlay_start_0:
0x88: {  	s2 =	sld [smem:$0x3FD9]  }
0x89: {  	s3 =	sld [smem:$0x3FFE];
	_ =	sdelay $0x1  }
0x8a: {  	s1 =	srdreg.scid  }
0x8b: {  	s0 =	sand.u32 $0x1, s1  }
0x8c: {  	s17 =	sshll.u32 s0, $0xA;
	s2 =	sadd.s32 s3, s2  }
0x8d: {  	s2 =	sadd.s32 s2, s17  }
0x8e: {  	[smem:$0x3FC2] =	sst s2  }
0x8f: {  	_ = 	snop  }
0x90: {  	s2 =	sld [smem:$0x3FC8]  }
0x91: {  	s18 =	sld [smem:$0x3FC7]  }
0x92: {  	s4 =	sld [smem:$0x3FD0];
	(tm) =	ssettm $0x1  }
0x93: {  	s5 =	sld [smem:$0x3FFB];
	_ =	sdelay $0x3  }
0x94: {  	_ =	strace s5  }
0x95: {  	s5 =	sld [smem:$0x3FFC];
	_ =	sdelay $0x3  }
0x96: {  	_ =	strace s5  }
0x97: {  	s5 =	sld [smem:$0x3FFD];
	_ =	sdelay $0x3  }
0x98: {  	_ =	strace s5  }
0x99: {  	_ =	strace $0x8FFFFFFF  }
0x9a: {  	s19 =	sld [smem:$0x3FDB];
	_ =	sdelay $0x1  }
0x9b: {  	s6 =	simm.s32 $_scs_section_size  }
0x9c: {  	s7 =	simm.s32 $_size__tile_overlayer_lowered;
	s8 =	simm.s32 $_tile_overlayer_lowered  }
0x9d: {  	s22 =	simm.s32 $0x1BFF;
	s21 =	sshll.u32 s8, $0x1;
	s5 =	sadd.s32 s6, s19  }
0x9e: {  	s9 =	simm.s32 $0x0;
	s20 =	sshll.u32 s7, $0x1;
	s7 =	sadd.s32 s21, s5  }
0x9f: {  	[timem:s9], [sflag:s22] =	dma.local [hbm:s7], s20  }
0xa0: {  	_ =	swait.ge [sflag:s22], s20  }
0xa1: {  	s6 =	ssub.s32 $0x0, s20;
	[sflag:s22] =	ssyncset.done $0x0  }
0xa2: {  	[sflag:s22] =	ssyncadd.s32 s6;
	_ =	sdelay $0x1  }
0xa3: {  	s23 =	simm.s32 $0x1B8B  }
0xa4: {  	_ =	swait.ge [sflag:s23], $0x1  }
0xa5: {  	[sflag:s23] =	ssyncset.done $0x0  }
0xa6: {  	s25 =	simm.s32 $0x1B8E;
	s24 =	sld [smem:$0x3FFE];
	[sflag:s23] =	ssyncadd.s32 $0xFFFFFFFF  }
0xa7: {  	s26 =	simm.s32 $execute0_lowered;
	[smem:$0x3FD2] =	sst s25  }
0xa8: {  	s7 =	sshll.u32 s26, $0x1;
	_ =	strace $0x80000046;
	[dreg:$0x1] =	wrdreg $0xFFFFFFFF  }
0xa9: {  	s28 =	simm.s32 $_size_execute0_lowered;
	s5 =	sadd.s32 s5, s7;
	[dreg:$0x0] =	wrdreg $0x0  }
0xaa: {  	s7 =	sshll.u32 s28, $0x1;
	[dreg:$0x2] =	wrdreg s5  }
0xab: {  	[dreg:$0x3] =	wrdreg s7  }
0xac: {  	[dreg:$0x4] =	wrdreg $0xC0  }
0xad: {  	_ =	task [dreg:s9], $0x5FFFF  }
0xae: {  	[dreg:$0x1] =	wrdreg $0xFFFFFFFF  }
0xaf: {  	[dreg:$0x0] =	wrdreg $0x60  }
0xb0: {  	[dreg:$0x2] =	wrdreg s4  }
0xb1: {  	[dreg:$0x3] =	wrdreg s2  }
0xb2: {  	[dreg:$0x4] =	wrdreg s18  }
0xb3: {  	[dreg:$0x5] =	wrdreg s24  }
0xb4: {  	[dreg:$0x6] =	wrdreg $0x1DBF00  }
0xb5: {  	[dreg:$0x7] =	wrdreg $0x1D1F00  }
0xb6: {  	[dreg:$0x8] =	wrdreg $0x9  }
0xb7: {  	_ =	task.clear_ibuf [dreg:s9], $0x9FFFF;
	_ =	strace $0x90000046  }
0xb8: {  	s29 =	simm.s32 $0x9;
	_ =	strace $0x80000048  }
0xb9: {  	_ =	swait.ge [sflag:s29], $0x1  }
0xba: {  	[sflag:s29] =	ssyncadd.s32 $0xFFFFFFFF  }
0xbb: {  	_ =	strace $0x90000048  }
0xbc: {  	_ =	sfence  }
0xbd: {  	s30 =	sld [smem:$0x0];
	_ =	sdelay $0x2  }
0xbe: {  	s31 =	sshll.u32 s1, $0xD;
	s1 =	sshrl.u32 s1, $0x2  }
0xbf: {  	s3 =	sand.u32 $0x4000, s31;
	s1 =	sadd.s32 s1, s30  }
0xc0: {  	s0 =	sor.u32 s3, s0;
	s1 =	sshll.u32 s1, $0x11  }
0xc1: {  	s0 =	sor.u32 s1, s0  }
0xc2: {  	s0 =	sadd.s32 $0x8F2B, s0  }
0xc3: {  	[sflag:s0] =	ssyncadd.remote.s32 $0x1  }
0xc4: {  	_ =	sfence.sel $0xFFFF  }
0xc5: {  	[dreg:$0x0] =	wrdreg $0xFFFFFFFF;
	(pc) =	sbr.abs _section_cstart, $3  }
0xc6: {  	[dreg:$0x1] =	wrdreg $0xFFFFFFFF  }
0xc7: {  	_ =	task.clear_ibuf [dreg:s9], $0x2FFFF;
	_ =	strace $0x9FFFFFFF  }
0xc8: {  	(tm) =	ssettm $0x7FFFFFFF  }
0xc9: {  	_ =	shalt  }
tec
execute0_lowered:
.L_overlay_start_1:
0x0: {  	(tag) =	ssettag $0x1  }
0x1: {  	s0 =	rddreg [dreg:$0x0]  }
0x2: {  	s1 =	rddreg [dreg:$0x1]  }
0x3: {  	s2 =	rddreg [dreg:$0x2]  }
0x4: {  	s5 =	rddreg [dreg:$0x3]  }
0x5: {  	s19 =	rddreg [dreg:$0x4]  }
0x6: {  	s13 =	rddreg [dreg:$0x5]  }
0x7: {  	s18 =	stileid.u32;
	s4 =	srdreg.scid;
	s3 =	simm.s32 $0x0  }
0x8: {  	s21 =	simm.s32 $0x1B170;
	s23 =	simm.s32 $0x2;
	s6 =	smul.u32 $0x4E2, s18  }
0x9: {  	s24 =	simm.s32 $0x1;
	s25 =	simm.s32 $0x9C40;
	s7 =	smul.u32 $0x280, s18  }
0xa: {  	s8 =	sand.u32 $0x1, s4;
	[smem:$0x7FF] =	sst s3;
	s4 =	sadd.s32 $0x5C00, s5  }
0xb: {  	s11 =	smul.u32 $0xA00, s18;
	p0 =	sne.s32 s18, $0x0;
	s18 =	simm.s32 $0x1C570  }
0xc: {  	s9 =	smul.u32 $0xA000, s8;
	_ =	strace $0x80000047;
	s29 =	ssub.s32 $0x2, s8  }
0xd: {  	s8 =	smul.u32 $0x1388, s8;
	s22 =	sshrl.u32 @!p0 s19, $0x3;
	s19 =	simm.s32 $0x0  }
0xe: {  	s10 =	sadd.s32 s6, s5;
	s28 =	sshrl.u32 s7, $0x3;
	s30 =	sshrl.u32 s29, $0x1  }
0xf: {  	s31 =	sshrl.u32 s11, $0x2;
	s12 =	sadd.s32 s28, s5;
	s7 =	sadd.s32 s7, s9  }
0x10: {  	s17 =	ssub.s32 s29, s30;
	s8 =	sadd.s32 s0, s8;
	s9 =	sadd.s32 s11, s13  }
0x11: {  	s0 =	simm.s32 $0x280;
	s7 =	sshrl.u32 s7, $0x3;
	s12 =	sadd.s32 $0x600, s12  }
0x12: {  	s17 =	smax.u32 s17, $0x1;
	s16 =	sadd.s32 s7, s5;
	s5 =	sadd.s32 s1, s6  }
0x13: {  	s7 =	sadd.s32 $0xC00, s10;
	s10 =	sadd.s32 $0x9C40, s11;
	s11 =	sadd.s32 s31, s13  }
0x14: {  	s6 =	sadd.s32 s2, s6;
	s1 =	simm.s32 $0x2800;
	s13 =	sadd.s32 $0x2800, s11  }
0x15: {  	v0 =	vimm.f32 $0.0e+00;
	s14 =	sadd.s32 $0x5000, s11;
	s15 =	sadd.s32 $0x7800, s11;
	s16 =	sadd.s32 $0x5E00, s16  }
.LBB2_1:
0x16: {  	s2 =	simm.s32 $0x13C40  }
0x17: {  	[tilespmem:s2], [sflag:$0x1] =	stream.linear.gather [hbm4b:s5+s3], $0x2710, $0x38;
	[tilespmem:$0x1E5B8] =	vst v63  }
0x18: {  	s30 =	simm.s32 $0x16350  }
0x19: {  	[tilespmem:s30], [sflag:$0x1] =	stream.linear.gather [hbm4b:s6+s3], $0x2710, $0x38;
	[tilespmem:$0x1E5B8] =	vst v63  }
0x1a: {  	s31 =	simm.s32 $0x18A60  }
0x1b: {  	[tilespmem:s31], [sflag:$0x1] =	stream.linear.gather [hbm4b:s7+s3], $0x2710, $0x38;
	[tilespmem:$0x1E5B8] =	vst v63  }
0x1c: {  	s2 =	simm.s32 @!p0 $0x1C02  }
0x1d: {  	[tilespmem:s21], [sflag:$0x1] =	stream.linear.gather [hbm4b:s4+s3], $0xA00, $0x38;
	[tilespmem:$0x1E5B8] =	vst v63  }
0x1e: {  	[spmem:s22], [sflag:s2] =	dma.local @!p0 [hbm:s8], $0x1388  }
0x1f: {  	s2 =	simm.s32 @!p0 $0x2  }
0x20: {  	_ =	swait.ge @!p0 [sflag:s2], $0x1388  }
0x21: {  	[sflag:s2] =	ssyncset.done @!p0 $0x0  }
0x22: {  	[sflag:s2] =	ssyncadd.s32 @!p0 $0xFFFFEC78;
	s2 =	simm.s32 $0x9D40  }
0x23: {  	[tilespmem:s2+$0xFFFFFF00] =	vst v0  }
0x24: {  	[tilespmem:s2+$0xF0] =	vst v0  }
0x25: {  	[tilespmem:s2+$0xE0] =	vst v0  }
0x26: {  	[tilespmem:s2+$0xD0] =	vst v0  }
0x27: {  	[tilespmem:s2+$0xC0] =	vst v0  }
0x28: {  	[tilespmem:s2+$0xB0] =	vst v0  }
0x29: {  	[tilespmem:s2+$0xA0] =	vst v0  }
0x2a: {  	[tilespmem:s2+$0x90] =	vst v0  }
0x2b: {  	[tilespmem:s2+$0x80] =	vst v0  }
0x2c: {  	[tilespmem:s2+$0x70] =	vst v0  }
0x2d: {  	[tilespmem:s2+$0x60] =	vst v0  }
0x2e: {  	[tilespmem:s2+$0x50] =	vst v0  }
0x2f: {  	[tilespmem:s2+$0x40] =	vst v0  }
0x30: {  	[tilespmem:s2+$0x30] =	vst v0  }
0x31: {  	[tilespmem:s2+$0x20] =	vst v0  }
0x32: {  	[tilespmem:s2+$0x10] =	vst v0  }
0x33: {  	[tilespmem:s2+$0x0] =	vst v0  }
0x34: {  	[tilespmem:s2+$0xFFFFFFF0] =	vst v0  }
0x35: {  	[tilespmem:s2+$0xFFFFFFE0] =	vst v0  }
0x36: {  	[tilespmem:s2+$0xFFFFFFD0] =	vst v0  }
0x37: {  	[tilespmem:s2+$0xFFFFFFC0] =	vst v0  }
0x38: {  	[tilespmem:s2+$0xFFFFFFB0] =	vst v0  }
0x39: {  	[tilespmem:s2+$0xFFFFFFA0] =	vst v0  }
0x3a: {  	[tilespmem:s2+$0xFFFFFF90] =	vst v0  }
0x3b: {  	[tilespmem:s2+$0xFFFFFF80] =	vst v0  }
0x3c: {  	[tilespmem:s2+$0xFFFFFF70] =	vst v0  }
0x3d: {  	[tilespmem:s2+$0xFFFFFF60] =	vst v0  }
0x3e: {  	[tilespmem:s2+$0xFFFFFF50] =	vst v0  }
0x3f: {  	[tilespmem:s2+$0xFFFFFF40] =	vst v0  }
0x40: {  	[tilespmem:s2+$0xFFFFFF30] =	vst v0  }
0x41: {  	s20 =	simm.s32 $0x0;
	[tilespmem:s2+$0xFFFFFF20] =	vst v0  }
.LBB2_2:
0x42: {  	s20 =	sadd.s32 $0x4, s20;
	[tilespmem:s2+$0xFFFFFF10] =	vst v0;
	s2 =	sadd.s32 $0x200, s2  }
0x43: {  	[tilespmem:s2+$0xFFFFFF00] =	vst v0;
	p1 =	slt.u32 s20, $0x13C  }
0x44: {  	[tilespmem:s2+$0xF0] =	vst v0  }
0x45: {  	[tilespmem:s2+$0xE0] =	vst v0  }
0x46: {  	[tilespmem:s2+$0xD0] =	vst v0  }
0x47: {  	[tilespmem:s2+$0xC0] =	vst v0  }
0x48: {  	[tilespmem:s2+$0xB0] =	vst v0  }
0x49: {  	[tilespmem:s2+$0xA0] =	vst v0  }
0x4a: {  	[tilespmem:s2+$0x90] =	vst v0  }
0x4b: {  	[tilespmem:s2+$0x80] =	vst v0  }
0x4c: {  	[tilespmem:s2+$0x70] =	vst v0  }
0x4d: {  	[tilespmem:s2+$0x60] =	vst v0  }
0x4e: {  	[tilespmem:s2+$0x50] =	vst v0  }
0x4f: {  	[tilespmem:s2+$0x40] =	vst v0  }
0x50: {  	[tilespmem:s2+$0x30] =	vst v0  }
0x51: {  	[tilespmem:s2+$0x20] =	vst v0  }
0x52: {  	[tilespmem:s2+$0x10] =	vst v0  }
0x53: {  	[tilespmem:s2+$0x0] =	vst v0  }
0x54: {  	[tilespmem:s2+$0xFFFFFFF0] =	vst v0  }
0x55: {  	[tilespmem:s2+$0xFFFFFFE0] =	vst v0  }
0x56: {  	[tilespmem:s2+$0xFFFFFFD0] =	vst v0  }
0x57: {  	[tilespmem:s2+$0xFFFFFFC0] =	vst v0  }
0x58: {  	[tilespmem:s2+$0xFFFFFFB0] =	vst v0  }
0x59: {  	[tilespmem:s2+$0xFFFFFFA0] =	vst v0  }
0x5a: {  	[tilespmem:s2+$0xFFFFFF90] =	vst v0  }
0x5b: {  	[tilespmem:s2+$0xFFFFFF80] =	vst v0  }
0x5c: {  	[tilespmem:s2+$0xFFFFFF70] =	vst v0  }
.Ltmp0:
0x5d: {  	[tilespmem:s2+$0xFFFFFF60] =	vst v0;
	(pc) =	sbr.rel @p1 .LBB2_2-.Ltmp0, $4  }
0x5e: {  	[tilespmem:s2+$0xFFFFFF50] =	vst v0  }
0x5f: {  	[tilespmem:s2+$0xFFFFFF40] =	vst v0  }
0x60: {  	[tilespmem:s2+$0xFFFFFF30] =	vst v0  }
0x61: {  	[tilespmem:s2+$0xFFFFFF20] =	vst v0  }
0x62: {  	[tilespmem:s2+$0xFFFFFF10] =	vst v0  }
0x63: {  	[spmem:s9] =	stream.linear.scatter [tilespmem:s10], [sflag:$0x2], $0xA00, $0x38;
	[tilespmem:$0x1E5B8] =	vst v63  }
0x64: {  	_ =	swait.ge [sflag:s23], $0xA00  }
0x65: {  	[sflag:s23] =	ssyncset.done $0x0  }
0x66: {  	[sflag:s23] =	ssyncadd.s32 $0xFFFFF600  }
0x67: {  	[bflag:$0x0] =	sbarrier.arrive $0xFFFF  }
0x68: {  	s30 =	rddreg [dreg:$0x4]  }
0x69: {  	[tilespmem:s3], [sflag:$0x2] =	stream.linear.gather [spmem:s30], $0x9C40, $0x38;
	[tilespmem:$0x1E5B8] =	vst v63  }
0x6a: {  	_ =	swait.ge [sflag:s23], $0x9C40  }
0x6b: {  	[sflag:s23] =	ssyncset.done $0x0  }
0x6c: {  	[sflag:s23] =	ssyncadd.s32 $0xFFFF63C0  }
0x6d: {  	_ =	swait.ge [sflag:s24], $0x2710  }
0x6e: {  	[sflag:s24] =	ssyncset.done $0x0  }
0x6f: {  	[sflag:s24] =	ssyncadd.s32 $0xFFFFD8F0  }
0x70: {  	_ =	swait.ge [sflag:s24], $0x2710  }
0x71: {  	[sflag:s24] =	ssyncset.done $0x0  }
0x72: {  	[sflag:s24] =	ssyncadd.s32 $0xFFFFD8F0  }
0x73: {  	_ =	swait.ge [sflag:s24], $0x2710  }
0x74: {  	[sflag:s24] =	ssyncset.done $0x0  }
0x75: {  	[sflag:s24] =	ssyncadd.s32 $0xFFFFD8F0  }
0x76: {  	_ =	swait.ge [sflag:s24], $0xA00  }
0x77: {  	[sflag:s24] =	ssyncset.done $0x0  }
0x78: {  	s31 =	simm.s32 $0x13C60;
	[sflag:s24] =	ssyncadd.s32 $0xFFFFF600  }
0x79: {  	v5 =	vld [tilespmem:s31+$0x20]  }
0x7a: {  	v6 =	vld [tilespmem:s31+$0xFFFFFFF0]  }
0x7b: {  	v8 =	vld [tilespmem:s31+$0x0]  }
0x7c: {  	v7 =	vld [tilespmem:s31+$0xFFFFFFE0]  }
0x7d: {  	s20 =	simm.s32 $0x16370;
	v9 =	vld [tilespmem:s31+$0x10]  }
0x7e: {  	s26 =	simm.s32 $0x18A80;
	v10 =	vld [tilespmem:s20+$0x20]  }
0x7f: {  	v11 =	vld [tilespmem:s26+$0x20]  }
0x80: {  	v4 =	vld [tilespmem:s26+$0xFFFFFFE0]  }
0x81: {  	v1 =	vld.idx.msk [tilespmem:v5+s3+$0x0], $0xffff  }
0x82: {  	v17 =	vld [tilespmem:s20+$0xFFFFFFE0]  }
0x83: {  	v19 =	vld [tilespmem:s20+$0xFFFFFFF0]  }
0x84: {  	v21 =	vld [tilespmem:s20+$0x0];
	v2 =	vadd.s32 $0x2710, v5  }
0x85: {  	v22 =	vld [tilespmem:s20+$0x10]  }
0x86: {  	v12 =	vld.idx.msk [tilespmem:v6+s3+$0x0], $0xffff;
	v3 =	vmul.f32 v1, v11  }
0x87: {  	v14 =	vld.idx.msk [tilespmem:v7+s3+$0x0], $0xffff  }
0x88: {  	[tilespmem:v10+s25+$0x0] =	vst.idx.add.f32.msk $0xffff, v3  }
0x89: {  	v16 =	vld.idx.msk [tilespmem:v2+s3+$0x0], $0xffff  }
0x8a: {  	v1 =	vld [tilespmem:s26+$0xFFFFFFF0]  }
0x8b: {  	v18 =	vadd.s32 $0x2800, v10;
	v13 =	vld.idx.msk [tilespmem:v8+s3+$0x0], $0xffff  }
0x8c: {  	v15 =	vld.idx.msk [tilespmem:v9+s3+$0x0], $0xffff;
	v14 =	vmul.f32 v14, v4  }
0x8d: {  	v20 =	vadd.s32 $0x4E20, v5;
	v3 =	vld [tilespmem:s26+$0x0]  }
0x8e: {  	v23 =	vadd.s32 $0x2710, v7;
	[tilespmem:v17+s25+$0x0] =	vst.idx.add.f32.msk $0xffff, v14;
	v16 =	vmul.f32 v16, v11  }
0x8f: {  	v2 =	vld [tilespmem:s26+$0x10];
	v12 =	vmul.f32 v12, v1  }
0x90: {  	[tilespmem:v18+s25+$0x0] =	vst.idx.add.f32.msk $0xffff, v16;
	v16 =	vadd.s32 $0x2710, v6  }
0x91: {  	[tilespmem:v19+s25+$0x0] =	vst.idx.add.f32.msk $0xffff, v12  }
0x92: {  	v13 =	vmul.f32 v13, v3;
	v12 =	vadd.s32 $0x2710, v9;
	v18 =	vld.idx.msk [tilespmem:v20+s3+$0x0], $0xffff  }
0x93: {  	v14 =	vadd.s32 $0x2710, v8;
	v58 =	vld.idx.msk [tilespmem:v23+s3+$0x0], $0xffff  }
0x94: {  	[tilespmem:v21+s25+$0x0] =	vst.idx.add.f32.msk $0xffff, v13;
	v13 =	vmul.f32 v15, v2;
	v15 =	vadd.s32 $0x5000, v10  }
0x95: {  	v5 =	vadd.s32 $0x7530, v5;
	v16 =	vld.idx.msk [tilespmem:v16+s3+$0x0], $0xffff  }
0x96: {  	v59 =	vadd.s32 $0x2800, v17;
	[tilespmem:v22+s25+$0x0] =	vst.idx.add.f32.msk $0xffff, v13  }
0x97: {  	v13 =	vadd.s32 $0x2800, v19;
	v12 =	vld.idx.msk [tilespmem:v12+s3+$0x0], $0xffff;
	v18 =	vmul.f32 v18, v11  }
0x98: {  	v24 =	vadd.s32 $0x4E20, v7;
	v14 =	vld.idx.msk [tilespmem:v14+s3+$0x0], $0xffff  }
0x99: {  	[tilespmem:v15+s25+$0x0] =	vst.idx.add.f32.msk $0xffff, v18;
	v15 =	vmul.f32 v58, v4;
	v18 =	vadd.s32 $0x2800, v22  }
0x9a: {  	v25 =	vadd.s32 $0x2800, v21;
	v5 =	vld.idx.msk [tilespmem:v5+s3+$0x0], $0xffff;
	v16 =	vmul.f32 v16, v1  }
0x9b: {  	v60 =	vadd.s32 $0x4E20, v6;
	[tilespmem:v59+s25+$0x0] =	vst.idx.add.f32.msk $0xffff, v15  }
0x9c: {  	v12 =	vmul.f32 v12, v2;
	v15 =	vadd.s32 $0x4E20, v8;
	[tilespmem:v13+s25+$0x0] =	vst.idx.add.f32.msk $0xffff, v16  }
0x9d: {  	v13 =	vmul.f32 v14, v3;
	v14 =	vadd.s32 $0x4E20, v9;
	v16 =	vld.idx.msk [tilespmem:v24+s3+$0x0], $0xffff  }
0x9e: {  	[tilespmem:v18+s25+$0x0] =	vst.idx.add.f32.msk $0xffff, v12  }
0x9f: {  	v12 =	vadd.s32 $0x5000, v17;
	[tilespmem:v25+s25+$0x0] =	vst.idx.add.f32.msk $0xffff, v13  }
0xa0: {  	v18 =	vadd.s32 $0x7530, v7;
	v13 =	vld.idx.msk [tilespmem:v60+s3+$0x0], $0xffff  }
0xa1: {  	v10 =	vadd.s32 $0x7800, v10;
	v61 =	vld.idx.msk [tilespmem:v15+s3+$0x0], $0xffff  }
0xa2: {  	v62 =	vadd.s32 $0x5000, v19;
	v5 =	vmul.f32 v5, v11;
	v63 =	vld.idx.msk [tilespmem:v14+s3+$0x0], $0xffff;
	v11 =	vmul.f32 v16, v4;
	_ =	sdelay $0x1  }
0xa3: {  	v8 =	vadd.s32 $0x7530, v8;
	v9 =	vadd.s32 $0x7530, v9;
	v7 =	vadd.s32 $0x7530, v6;
	[tilespmem:v12+s25+$0x0] =	vst.idx.add.f32.msk $0xffff, v11  }
0xa4: {  	v6 =	vadd.s32 $0x7800, v17;
	v15 =	vadd.s32 $0x5000, v22;
	v16 =	vmul.f32 v13, v1;
	v12 =	vld.idx.msk [tilespmem:v18+s3+$0x0], $0xffff  }
0xa5: {  	[tilespmem:v10+s25+$0x0] =	vst.idx.add.f32.msk $0xffff, v5;
	v5 =	vadd.s32 $0x7800, v19;
	v10 =	vadd.s32 $0x7800, v21;
	v14 =	vadd.s32 $0x5000, v21  }
0xa6: {  	s2 =	simm.s32 $0x0;
	s28 =	simm.s32 $0x13CB0;
	v11 =	vadd.s32 $0x7800, v22;
	v13 =	vmul.f32 v61, v3;
	[tilespmem:v62+s25+$0x0] =	vst.idx.add.f32.msk $0xffff, v16;
	v16 =	vmul.f32 v63, v2  }
.LBB2_4:
0xa7: {  	v17 =	vld [tilespmem:s28+$0x20];
	s2 =	sadd.s32 $0x5, s2  }
0xa8: {  	v18 =	vld [tilespmem:s28+$0xFFFFFFF0];
	p1 =	slt.u32 s2, $0x26C  }
0xa9: {  	v20 =	vmul.f32 v12, v4;
	v19 =	vld [tilespmem:s28+$0x0]  }
0xaa: {  	v4 =	vld [tilespmem:s28+$0x10]  }
0xab: {  	v21 =	vld [tilespmem:s28+$0xFFFFFFE0]  }
0xac: {  	[tilespmem:v14+s25+$0x0] =	vst.idx.add.f32.msk $0xffff, v13  }
0xad: {  	s20 =	sadd.s32 $0x50, s20;
	v22 =	vadd.s32 $0x2710, v18;
	v12 =	vadd.s32 $0x4E20, v18;
	v14 =	vadd.s32 $0x7530, v18;
	[tilespmem:v15+s25+$0x0] =	vst.idx.add.f32.msk $0xffff, v16  }
0xae: {  	v16 =	vadd.s32 $0x2710, v19;
	v13 =	vadd.s32 $0x4E20, v19;
	v15 =	vadd.s32 $0x7530, v19;
	v23 =	vld [tilespmem:s20+$0x20]  }
0xaf: {  	s26 =	sadd.s32 $0x50, s26;
	v24 =	vadd.s32 $0x2710, v4;
	v25 =	vadd.s32 $0x4E20, v4;
	v26 =	vadd.s32 $0x7530, v4;
	v27 =	vld.idx.msk [tilespmem:v17+s3+$0x0], $0xffff  }
0xb0: {  	v28 =	vadd.s32 $0x2710, v21;
	v29 =	vadd.s32 $0x4E20, v21;
	v30 =	vadd.s32 $0x7530, v21;
	v31 =	vld [tilespmem:s26+$0x20]  }
0xb1: {  	v18 =	vld.idx.msk [tilespmem:v18+s3+$0x0], $0xffff  }
0xb2: {  	v19 =	vld.idx.msk [tilespmem:v19+s3+$0x0], $0xffff  }
0xb3: {  	v32 =	vadd.s32 $0x2710, v17;
	v21 =	vld.idx.msk [tilespmem:v21+s3+$0x0], $0xffff  }
0xb4: {  	v33 =	vld.idx.msk [tilespmem:v4+s3+$0x0], $0xffff  }
0xb5: {  	v4 =	vld [tilespmem:s26+$0xFFFFFFE0];
	v27 =	vmul.f32 v27, v31  }
0xb6: {  	v34 =	vld [tilespmem:s26+$0xFFFFFFF0]  }
0xb7: {  	[tilespmem:v23+s25+$0x0] =	vst.idx.add.f32.msk $0xffff, v27  }
0xb8: {  	v27 =	vld.idx.msk [tilespmem:v32+s3+$0x0], $0xffff  }
0xb9: {  	v32 =	vld [tilespmem:s26+$0x0]  }
0xba: {  	v21 =	vmul.f32 v21, v4;
	v35 =	vld [tilespmem:s26+$0x10]  }
0xbb: {  	v37 =	vadd.s32 $0x2800, v23;
	v36 =	vld [tilespmem:s20+$0xFFFFFFE0];
	v18 =	vmul.f32 v18, v34  }
0xbc: {  	v39 =	vadd.s32 $0x4E20, v17;
	v38 =	vld [tilespmem:s20+$0xFFFFFFF0]  }
0xbd: {  	v40 =	vld [tilespmem:s20+$0x0]  }
0xbe: {  	v27 =	vmul.f32 v27, v31;
	v19 =	vmul.f32 v19, v32;
	v41 =	vld [tilespmem:s20+$0x10]  }
0xbf: {  	v33 =	vmul.f32 v33, v35;
	v42 =	vld.idx.msk [tilespmem:v7+s3+$0x0], $0xffff;
	v7 =	vmov v14  }
0xc0: {  	v43 =	vadd.s32 $0x2800, v36;
	v44 =	vadd.s32 $0x5000, v36;
	v45 =	vadd.s32 $0x7800, v36;
	[tilespmem:v37+s25+$0x0] =	vst.idx.add.f32.msk $0xffff, v27  }
0xc1: {  	v27 =	vadd.s32 $0x2800, v38;
	v37 =	vadd.s32 $0x5000, v38;
	v46 =	vadd.s32 $0x7800, v38;
	v39 =	vld.idx.msk [tilespmem:v39+s3+$0x0], $0xffff  }
0xc2: {  	v47 =	vadd.s32 $0x2800, v40;
	v14 =	vadd.s32 $0x5000, v40;
	v48 =	vadd.s32 $0x7800, v40;
	v49 =	vld.idx.msk [tilespmem:v8+s3+$0x0], $0xffff;
	v8 =	vmovc v15  }
0xc3: {  	[tilespmem:v36+s25+$0x0] =	vst.idx.add.f32.msk $0xffff, v21;
	v21 =	vadd.s32 $0x2800, v41;
	v15 =	vadd.s32 $0x5000, v41;
	v36 =	vadd.s32 $0x7800, v41  }
0xc4: {  	[tilespmem:v38+s25+$0x0] =	vst.idx.add.f32.msk $0xffff, v18;
	v18 =	vadd.s32 $0x5000, v23  }
0xc5: {  	v17 =	vadd.s32 $0x7530, v17;
	[tilespmem:v40+s25+$0x0] =	vst.idx.add.f32.msk $0xffff, v19;
	v19 =	vmul.f32 v42, v1;
	v1 =	vmov v34  }
0xc6: {  	[tilespmem:v41+s25+$0x0] =	vst.idx.add.f32.msk $0xffff, v33  }
0xc7: {  	v33 =	vmul.f32 v39, v31;
	v28 =	vld.idx.msk [tilespmem:v28+s3+$0x0], $0xffff  }
0xc8: {  	v34 =	vmul.f32 v49, v3;
	v3 =	vmov v32;
	v22 =	vld.idx.msk [tilespmem:v22+s3+$0x0], $0xffff  }
0xc9: {  	[tilespmem:v18+s25+$0x0] =	vst.idx.add.f32.msk $0xffff, v33  }
0xca: {  	v17 =	vld.idx.msk [tilespmem:v17+s3+$0x0], $0xffff  }
0xcb: {  	v16 =	vld.idx.msk [tilespmem:v16+s3+$0x0], $0xffff  }
0xcc: {  	v18 =	vld.idx.msk [tilespmem:v24+s3+$0x0], $0xffff  }
0xcd: {  	v23 =	vadd.s32 $0x7800, v23;
	v24 =	vmul.f32 v28, v4;
	v28 =	vld.idx.msk [tilespmem:v9+s3+$0x0], $0xffff;
	v9 =	vmov v26  }
0xce: {  	v22 =	vmul.f32 v22, v1;
	[tilespmem:v6+s25+$0x0] =	vst.idx.add.f32.msk $0xffff, v20;
	v6 =	vmov v45  }
0xcf: {  	[tilespmem:v43+s25+$0x0] =	vst.idx.add.f32.msk $0xffff, v24  }
0xd0: {  	v17 =	vmul.f32 v17, v31;
	[tilespmem:v27+s25+$0x0] =	vst.idx.add.f32.msk $0xffff, v22  }
0xd1: {  	v16 =	vmul.f32 v16, v3;
	v20 =	vld.idx.msk [tilespmem:v29+s3+$0x0], $0xffff  }
0xd2: {  	v18 =	vmul.f32 v18, v35;
	[tilespmem:v23+s25+$0x0] =	vst.idx.add.f32.msk $0xffff, v17  }
0xd3: {  	[tilespmem:v47+s25+$0x0] =	vst.idx.add.f32.msk $0xffff, v16;
	v16 =	vmul.f32 v28, v2;
	v2 =	vmov v35  }
0xd4: {  	[tilespmem:v21+s25+$0x0] =	vst.idx.add.f32.msk $0xffff, v18  }
0xd5: {  	v17 =	vld.idx.msk [tilespmem:v12+s3+$0x0], $0xffff  }
0xd6: {  	v13 =	vld.idx.msk [tilespmem:v13+s3+$0x0], $0xffff  }
0xd7: {  	v12 =	vmul.f32 v20, v4;
	v18 =	vld.idx.msk [tilespmem:v25+s3+$0x0], $0xffff  }
0xd8: {  	[tilespmem:v5+s25+$0x0] =	vst.idx.add.f32.msk $0xffff, v19;
	v5 =	vmov v46  }
.Ltmp1:
0xd9: {  	[tilespmem:v44+s25+$0x0] =	vst.idx.add.f32.msk $0xffff, v12;
	(pc) =	sbr.rel @p1 .LBB2_4-.Ltmp1, $4  }
0xda: {  	v12 =	vld.idx.msk [tilespmem:v30+s3+$0x0], $0xffff  }
0xdb: {  	v17 =	vmul.f32 v17, v1;
	[tilespmem:v10+s25+$0x0] =	vst.idx.add.f32.msk $0xffff, v34;
	v10 =	vmov v48  }
0xdc: {  	v13 =	vmul.f32 v13, v3;
	[tilespmem:v11+s25+$0x0] =	vst.idx.add.f32.msk $0xffff, v16;
	v11 =	vmov v36  }
0xdd: {  	s28 =	sadd.s32 $0x50, s28;
	v16 =	vmul.f32 v18, v2;
	[tilespmem:v37+s25+$0x0] =	vst.idx.add.f32.msk $0xffff, v17  }
0xde: {  	_ =	sdelay $0x3  }
0xdf: {  	[tilespmem:v14+s25+$0x0] =	vst.idx.add.f32.msk $0xffff, v13  }
0xe0: {  	v7 =	vld.idx.msk [tilespmem:v7+s3+$0x0], $0xffff  }
0xe1: {  	[tilespmem:v15+s25+$0x0] =	vst.idx.add.f32.msk $0xffff, v16  }
0xe2: {  	v8 =	vld.idx.msk [tilespmem:v8+s3+$0x0], $0xffff  }
0xe3: {  	v9 =	vld.idx.msk [tilespmem:v9+s3+$0x0], $0xffff;
	_ =	sdelay $0x1  }
0xe4: {  	v4 =	vmul.f32 v12, v4  }
0xe5: {  	v1 =	vmul.f32 v7, v1  }
0xe6: {  	[tilespmem:v6+s25+$0x0] =	vst.idx.add.f32.msk $0xffff, v4;
	v3 =	vmul.f32 v8, v3  }
0xe7: {  	v2 =	vmul.f32 v9, v2;
	[tilespmem:v5+s25+$0x0] =	vst.idx.add.f32.msk $0xffff, v1  }
0xe8: {  	[tilespmem:v10+s25+$0x0] =	vst.idx.add.f32.msk $0xffff, v3  }
0xe9: {  	s2 =	rddreg [dreg:$0x5];
	s20 =	simm.s32 $0xA00;
	[tilespmem:v11+s25+$0x0] =	vst.idx.add.f32.msk $0xffff, v2  }
0xea: {  	[spmem:s2] =	stream.indirect.scatter.add.f32 [tilespmem:s25], [sflag:$0x2], $0x10, s21, s20, $0xb8;
	[tilespmem:$0x1E5B8] =	vst v63  }
0xeb: {  	_ =	swait.ge [sflag:s23], $0xA000  }
0xec: {  	[sflag:s23] =	ssyncset.done $0x0  }
0xed: {  	[sflag:s23] =	ssyncadd.s32 $0xFFFF6000  }
0xee: {  	s20 =	simm.s32 $0x1CF70;
	[bflag:$0x0] =	sbarrier.arrive $0xFFFF  }
0xef: {  	[tilespmem:s20], [sflag:$0x2] =	stream.linear.gather [hbm4b:s12+s3], $0x280, $0x38;
	[tilespmem:$0x1E5B8] =	vst v63  }
0xf0: {  	_ =	swait.ge [sflag:s23], $0x280  }
0xf1: {  	[sflag:s23] =	ssyncset.done $0x0  }
0xf2: {  	s26 =	simm.s32 $0x1BB70;
	[sflag:s23] =	ssyncadd.s32 $0xFFFFFD80  }
0xf3: {  	[tilespmem:s26], [sflag:$0x2] =	stream.linear.gather [spmem:s11], $0x280, $0x38;
	[tilespmem:$0x1E5B8] =	vst v63  }
0xf4: {  	_ =	swait.ge [sflag:s23], $0x280  }
0xf5: {  	[sflag:s23] =	ssyncset.done $0x0  }
0xf6: {  	s20 =	simm.s32 $0x1BDF0;
	[sflag:s23] =	ssyncadd.s32 $0xFFFFFD80  }
0xf7: {  	[tilespmem:s20], [sflag:$0x2] =	stream.linear.gather [spmem:s13], $0x280, $0x38;
	[tilespmem:$0x1E5B8] =	vst v63  }
0xf8: {  	_ =	swait.ge [sflag:s23], $0x280  }
0xf9: {  	[sflag:s23] =	ssyncset.done $0x0  }
0xfa: {  	s29 =	simm.s32 $0x1C070;
	[sflag:s23] =	ssyncadd.s32 $0xFFFFFD80  }
0xfb: {  	[tilespmem:s29], [sflag:$0x2] =	stream.linear.gather [spmem:s14], $0x280, $0x38;
	[tilespmem:$0x1E5B8] =	vst v63  }
0xfc: {  	_ =	swait.ge [sflag:s23], $0x280  }
0xfd: {  	[sflag:s23] =	ssyncset.done $0x0  }
0xfe: {  	s26 =	simm.s32 $0x1C2F0;
	[sflag:s23] =	ssyncadd.s32 $0xFFFFFD80  }
0xff: {  	[tilespmem:s26], [sflag:$0x2] =	stream.linear.gather [spmem:s15], $0x280, $0x38;
	[tilespmem:$0x1E5B8] =	vst v63  }
0x100: {  	_ =	swait.ge [sflag:s23], $0x280  }
0x101: {  	[sflag:s23] =	ssyncset.done $0x0  }
0x102: {  	[sflag:s23] =	ssyncadd.s32 $0xFFFFFD80  }
0x103: {  	s30 =	simm.s32 $0x1CF90;
	v1 =	vld [tilespmem:s29+$0xFFFFFB30]  }
0x104: {  	v2 =	vld [tilespmem:s30+$0x10];
	_ =	sdelay $0x1  }
0x105: {  	v3 =	vld [tilespmem:s29+$0xFFFFFB10]  }
0x106: {  	v4 =	vld [tilespmem:s30+$0xFFFFFFF0]  }
0x107: {  	v5 =	vld [tilespmem:s30+$0xFFFFFFE0]  }
0x108: {  	v1 =	vadd.f32 v2, v1;
	v2 =	vld [tilespmem:s29+$0xFFFFFB00]  }
0x109: {  	v6 =	vld [tilespmem:s29+$0xFFFFFB20]  }
0x10a: {  	s20 =	simm.s32 $0x1CA70;
	s26 =	simm.s32 $0x1C0B0;
	v7 =	vld [tilespmem:s30+$0x0];
	v1 =	vmax.f32 v1, $0.0e+00  }
0x10b: {  	v9 =	vld [tilespmem:s26+$0xFFFFFB30];
	[tilespmem:s20+$0xFFFFFB30] =	vst v1;
	v1 =	vadd.f32 v4, v3  }
0x10c: {  	v3 =	vld [tilespmem:s29+$0xFFFFFDB0]  }
0x10d: {  	s2 =	simm.s32 $0x1CFD0;
	v4 =	vld [tilespmem:s30+$0x10];
	v1 =	vmax.f32 v1, $0.0e+00;
	v2 =	vadd.f32 v5, v2  }
0x10e: {  	v10 =	vld [tilespmem:s2+$0x10];
	[tilespmem:s20+$0xFFFFFB10] =	vst v1  }
0x10f: {  	v1 =	vadd.f32 v7, v6;
	v5 =	vld [tilespmem:s29+$0xFFFFFD90];
	v2 =	vmax.f32 v2, $0.0e+00  }
0x110: {  	v6 =	vld [tilespmem:s30+$0xFFFFFFF0];
	[tilespmem:s20+$0xFFFFFB00] =	vst v2  }
0x111: {  	v1 =	vmax.f32 v1, $0.0e+00;
	v2 =	vld [tilespmem:s29+$0xFFFFFD80]  }
0x112: {  	v3 =	vadd.f32 v4, v3;
	[tilespmem:s20+$0xFFFFFB20] =	vst v1;
	v1 =	vld [tilespmem:s30+$0xFFFFFFE0]  }
0x113: {  	v4 =	vld [tilespmem:s29+$0xFFFFFDA0]  }
0x114: {  	v7 =	vld [tilespmem:s30+$0x0];
	v3 =	vmax.f32 v3, $0.0e+00  }
0x115: {  	v11 =	vld [tilespmem:s2+$0xFFFFFFE0];
	[tilespmem:s20+$0xFFFFFDB0] =	vst v3;
	v3 =	vadd.f32 v6, v5  }
0x116: {  	v55 =	vld [tilespmem:s26+$0xFFFFFB10]  }
0x117: {  	v5 =	vld [tilespmem:s29+$0x30];
	v3 =	vmax.f32 v3, $0.0e+00;
	v1 =	vadd.f32 v1, v2  }
0x118: {  	v6 =	vld [tilespmem:s30+$0x10];
	[tilespmem:s20+$0xFFFFFD90] =	vst v3  }
0x119: {  	v3 =	vadd.f32 v7, v4;
	v2 =	vld [tilespmem:s29+$0x10];
	v1 =	vmax.f32 v1, $0.0e+00  }
0x11a: {  	v4 =	vld [tilespmem:s30+$0xFFFFFFF0];
	[tilespmem:s20+$0xFFFFFD80] =	vst v1  }
0x11b: {  	v1 =	vmax.f32 v3, $0.0e+00;
	v3 =	vld [tilespmem:s29+$0x0]  }
0x11c: {  	[tilespmem:s20+$0xFFFFFDA0] =	vst v1;
	v1 =	vld [tilespmem:s30+$0xFFFFFFE0]  }
0x11d: {  	v56 =	vld [tilespmem:s26+$0xFFFFFB20]  }
0x11e: {  	v57 =	vld [tilespmem:s2+$0x0];
	v9 =	vadd.f32 v10, v9  }
0x11f: {  	v5 =	vadd.f32 v6, v5;
	v6 =	vld [tilespmem:s29+$0x20]  }
0x120: {  	s28 =	simm.s32 $0x1CAB0;
	v7 =	vld [tilespmem:s30+$0x0];
	v2 =	vadd.f32 v4, v2;
	v4 =	vmax.f32 v9, $0.0e+00  }
0x121: {  	[tilespmem:s28+$0xFFFFFB30] =	vst v4;
	v1 =	vadd.f32 v1, v3;
	v3 =	vld [tilespmem:s2+$0xFFFFFFF0]  }
0x122: {  	v5 =	vmax.f32 v5, $0.0e+00;
	v10 =	vld [tilespmem:s26+$0xFFFFFDB0]  }
0x123: {  	[tilespmem:s20+$0x30] =	vst v5;
	v58 =	vld [tilespmem:s2+$0x10];
	v1 =	vmax.f32 v1, $0.0e+00  }
0x124: {  	[tilespmem:s20+$0x0] =	vst v1;
	v1 =	vld [tilespmem:s26+$0xFFFFFB00]  }
0x125: {  	v5 =	vld [tilespmem:s29+$0x2B0];
	v6 =	vadd.f32 v7, v6  }
0x126: {  	v8 =	vld [tilespmem:s30+$0x10];
	v2 =	vmax.f32 v2, $0.0e+00;
	v3 =	vadd.f32 v3, v55  }
0x127: {  	[tilespmem:s20+$0x10] =	vst v2;
	v6 =	vmax.f32 v6, $0.0e+00;
	v9 =	vld [tilespmem:s29+$0x280]  }
0x128: {  	v4 =	vld [tilespmem:s30+$0xFFFFFFE0];
	[tilespmem:s20+$0x20] =	vst v6;
	v10 =	vadd.f32 v58, v10;
	v2 =	vmax.f32 v3, $0.0e+00  }
0x129: {  	v62 =	vld [tilespmem:s29+$0x2A0];
	v1 =	vadd.f32 v11, v1;
	[tilespmem:s28+$0xFFFFFB10] =	vst v2  }
0x12a: {  	v3 =	vadd.f32 v57, v56;
	v10 =	vmax.f32 v10, $0.0e+00;
	v2 =	vld [tilespmem:s26+$0xFFFFFD90]  }
0x12b: {  	[tilespmem:s28+$0xFFFFFDB0] =	vst v10;
	v59 =	vld [tilespmem:s2+$0xFFFFFFF0];
	v1 =	vmax.f32 v1, $0.0e+00  }
0x12c: {  	v3 =	vmax.f32 v3, $0.0e+00;
	v61 =	vld [tilespmem:s26+$0x30];
	[tilespmem:s28+$0xFFFFFB00] =	vst v1  }
0x12d: {  	[tilespmem:s28+$0xFFFFFB20] =	vst v3;
	v3 =	vld [tilespmem:s26+$0xFFFFFD80]  }
0x12e: {  	v60 =	vld [tilespmem:s2+$0xFFFFFFE0]  }
0x12f: {  	v1 =	vld [tilespmem:s26+$0xFFFFFDA0]  }
0x130: {  	v7 =	vld [tilespmem:s2+$0x0];
	v2 =	vadd.f32 v59, v2  }
0x131: {  	v6 =	vld [tilespmem:s2+$0x10]  }
0x132: {  	v11 =	vld [tilespmem:s29+$0x290];
	v2 =	vmax.f32 v2, $0.0e+00  }
0x133: {  	v10 =	vld [tilespmem:s30+$0xFFFFFFF0];
	v3 =	vadd.f32 v60, v3;
	[tilespmem:s28+$0xFFFFFD90] =	vst v2  }
0x134: {  	v63 =	vld [tilespmem:s26+$0x10]  }
0x135: {  	v1 =	vadd.f32 v7, v1;
	v7 =	vld [tilespmem:s2+$0xFFFFFFF0];
	v2 =	vmax.f32 v3, $0.0e+00  }
0x136: {  	v6 =	vadd.f32 v6, v61;
	v3 =	vadd.f32 v8, v5;
	v8 =	vld [tilespmem:s30+$0x0];
	[tilespmem:s28+$0xFFFFFD80] =	vst v2  }
0x137: {  	v1 =	vmax.f32 v1, $0.0e+00;
	v2 =	vld [tilespmem:s26+$0x0]  }
0x138: {  	v4 =	vadd.f32 v4, v9;
	v9 =	vmax.f32 v6, $0.0e+00;
	[tilespmem:s28+$0xFFFFFDA0] =	vst v1;
	v5 =	vld [tilespmem:s2+$0xFFFFFFE0]  }
0x139: {  	[tilespmem:s28+$0x30] =	vst v9;
	v1 =	vadd.f32 v10, v11;
	v6 =	vld [tilespmem:s2+$0x0];
	v3 =	vmax.f32 v3, $0.0e+00  }
0x13a: {  	v4 =	vmax.f32 v4, $0.0e+00;
	[tilespmem:s20+$0x2B0] =	vst v3;
	v3 =	vld [tilespmem:s26+$0x20];
	v10 =	vadd.f32 v7, v63  }
0x13b: {  	[tilespmem:s20+$0x280] =	vst v4;
	v4 =	vmax.f32 v1, $0.0e+00;
	v1 =	vld [tilespmem:s26+$0x2B0];
	v7 =	vadd.f32 v8, v62  }
0x13c: {  	s31 =	simm.s32 $0x1C0F0;
	s29 =	simm.s32 $0x1CFD0;
	s30 =	simm.s32 $0x4;
	[tilespmem:s20+$0x290] =	vst v4;
	v4 =	vld [tilespmem:s2+$0x10];
	v8 =	vmax.f32 v10, $0.0e+00  }
.LBB2_6:
0x13d: {  	v9 =	vld [tilespmem:s31+$0xFFFFFB30];
	v2 =	vadd.f32 v5, v2;
	[tilespmem:s28+$0x10] =	vst v8;
	s2 =	sadd.s32 $0x40, s2;
	v5 =	vmax.f32 v7, $0.0e+00  }
0x13e: {  	v7 =	vld [tilespmem:s2+$0x10];
	[tilespmem:s20+$0x2A0] =	vst v5;
	s20 =	smov.u32 s28  }
0x13f: {  	v5 =	vld [tilespmem:s2+$0xFFFFFFE0];
	v2 =	vmax.f32 v2, $0.0e+00;
	v3 =	vadd.f32 v6, v3  }
0x140: {  	v6 =	vld [tilespmem:s31+$0xFFFFFB10];
	[tilespmem:s28+$0x0] =	vst v2  }
0x141: {  	s30 =	sadd.s32 $0x4, s30;
	v2 =	vld [tilespmem:s2+$0xFFFFFFF0];
	v3 =	vmax.f32 v3, $0.0e+00;
	v1 =	vadd.f32 v4, v1  }
0x142: {  	p1 =	slt.u32 s30, $0x24;
	v4 =	vld [tilespmem:s31+$0xFFFFFB20];
	[tilespmem:s28+$0x20] =	vst v3  }
0x143: {  	v3 =	vld [tilespmem:s2+$0x0];
	v7 =	vadd.f32 v7, v9;
	v1 =	vmax.f32 v1, $0.0e+00  }
0x144: {  	v8 =	vld [tilespmem:s31+$0xFFFFFB00];
	[tilespmem:s28+$0x2B0] =	vst v1  }
0x145: {  	s28 =	sadd.s32 $0x40, s28;
	v1 =	vmax.f32 v7, $0.0e+00;
	v7 =	vld [tilespmem:s26+$0x280]  }
0x146: {  	v2 =	vadd.f32 v2, v6;
	[tilespmem:s28+$0xFFFFFB30] =	vst v1;
	v1 =	vld [tilespmem:s29+$0xFFFFFFE0]  }
0x147: {  	v6 =	vld [tilespmem:s31+$0xFFFFFDB0]  }
0x148: {  	v2 =	vmax.f32 v2, $0.0e+00;
	v3 =	vadd.f32 v3, v4;
	v4 =	vld [tilespmem:s2+$0x10]  }
0x149: {  	v5 =	vadd.f32 v5, v8;
	[tilespmem:s28+$0xFFFFFB10] =	vst v2;
	v2 =	vld [tilespmem:s26+$0x290]  }
0x14a: {  	v8 =	vld [tilespmem:s31+$0xFFFFFD90];
	v3 =	vmax.f32 v3, $0.0e+00  }
0x14b: {  	v5 =	vmax.f32 v5, $0.0e+00;
	v9 =	vld [tilespmem:s2+$0xFFFFFFF0];
	[tilespmem:s28+$0xFFFFFB20] =	vst v3;
	v1 =	vadd.f32 v1, v7  }
0x14c: {  	[tilespmem:s28+$0xFFFFFB00] =	vst v5;
	v3 =	vld [tilespmem:s31+$0xFFFFFDA0]  }
0x14d: {  	v5 =	vld [tilespmem:s31+$0xFFFFFD80];
	v4 =	vadd.f32 v4, v6;
	v1 =	vmax.f32 v1, $0.0e+00  }
0x14e: {  	v6 =	vld [tilespmem:s2+$0xFFFFFFE0];
	[tilespmem:s20+$0x280] =	vst v1  }
0x14f: {  	v1 =	vld [tilespmem:s2+$0x0];
	v4 =	vmax.f32 v4, $0.0e+00  }
0x150: {  	v7 =	vadd.f32 v9, v8;
	[tilespmem:s28+$0xFFFFFDB0] =	vst v4;
	v4 =	vld [tilespmem:s29+$0xFFFFFFF0]  }
0x151: {  	v8 =	vld [tilespmem:s31+$0x30]  }
0x152: {  	v7 =	vmax.f32 v7, $0.0e+00;
	v9 =	vld [tilespmem:s2+$0x10]  }
0x153: {  	v5 =	vadd.f32 v6, v5;
	[tilespmem:s28+$0xFFFFFD90] =	vst v7;
	v7 =	vld [tilespmem:s26+$0x2A0];
	s26 =	smov.u32 s31  }
0x154: {  	v6 =	vld [tilespmem:s31+$0x10];
	v1 =	vadd.f32 v1, v3  }
0x155: {  	v3 =	vmax.f32 v5, $0.0e+00;
	v10 =	vld [tilespmem:s2+$0xFFFFFFF0];
	v4 =	vadd.f32 v4, v2  }
0x156: {  	[tilespmem:s28+$0xFFFFFD80] =	vst v3;
	v1 =	vmax.f32 v1, $0.0e+00;
	v11 =	vld [tilespmem:s29+$0x0];
	s29 =	smov.u32 s2  }
0x157: {  	v2 =	vld [tilespmem:s31+$0x0];
	[tilespmem:s28+$0xFFFFFDA0] =	vst v1;
	v1 =	vadd.f32 v9, v8;
	v3 =	vmax.f32 v4, $0.0e+00  }
.Ltmp2:
0x158: {  	v5 =	vld [tilespmem:s2+$0xFFFFFFE0];
	[tilespmem:s20+$0x290] =	vst v3;
	(pc) =	sbr.rel @p1 .LBB2_6-.Ltmp2, $4  }
0x159: {  	v3 =	vld [tilespmem:s31+$0x20];
	v1 =	vmax.f32 v1, $0.0e+00  }
0x15a: {  	v4 =	vadd.f32 v10, v6;
	v6 =	vld [tilespmem:s2+$0x0];
	[tilespmem:s28+$0x30] =	vst v1  }
0x15b: {  	v1 =	vld [tilespmem:s31+$0x2B0];
	v7 =	vadd.f32 v11, v7  }
0x15c: {  	s31 =	sadd.s32 $0x40, s31;
	v8 =	vmax.f32 v4, $0.0e+00;
	v4 =	vld [tilespmem:s2+$0x10]  }
0x15d: {  	v2 =	vadd.f32 v5, v2;
	_ =	sdelay $0x1  }
0x15e: {  	[tilespmem:s28+$0x10] =	vst v8;
	v2 =	vmax.f32 v2, $0.0e+00  }
0x15f: {  	v61 =	vld [tilespmem:s26+$0x290];
	[tilespmem:s28+$0x0] =	vst v2;
	v2 =	vadd.f32 v6, v3  }
0x160: {  	v3 =	vld [tilespmem:s26+$0x280]  }
0x161: {  	v60 =	vld [tilespmem:s29+$0xFFFFFFE0];
	v2 =	vmax.f32 v2, $0.0e+00  }
0x162: {  	[tilespmem:s28+$0x20] =	vst v2;
	v2 =	vld [tilespmem:s29+$0xFFFFFFF0]  }
0x163: {  	v62 =	vld [tilespmem:s26+$0x2A0]  }
0x164: {  	v9 =	vld [tilespmem:s29+$0x0];
	_ =	sdelay $0x1  }
0x165: {  	v1 =	vadd.f32 v4, v1  }
0x166: {  	v63 =	vmax.f32 v7, $0.0e+00;
	v3 =	vadd.f32 v60, v3  }
0x167: {  	[tilespmem:s20+$0x2A0] =	vst v63;
	v1 =	vmax.f32 v1, $0.0e+00;
	v2 =	vadd.f32 v2, v61  }
0x168: {  	[tilespmem:s28+$0x2B0] =	vst v1;
	v1 =	vmax.f32 v3, $0.0e+00;
	v3 =	vadd.f32 v9, v62  }
0x169: {  	s19 =	sadd.s32 $0x1, s19;
	[tilespmem:s28+$0x280] =	vst v1;
	v1 =	vmax.f32 v2, $0.0e+00  }
0x16a: {  	p1 =	sne.s32 s19, s17;
	[tilespmem:s28+$0x290] =	vst v1;
	v1 =	vmax.f32 v3, $0.0e+00  }
.Ltmp3:
0x16b: {  	[tilespmem:s28+$0x2A0] =	vst v1;
	(pc) =	sbr.rel @p1 .LBB2_1-.Ltmp3, $4  }
0x16c: {  	[hbm4b:s16+s0] =	stream.strided.scatter [tilespmem:s18], [sflag:$0x2], $0xA00, s1, s0, $0x38;
	[tilespmem:$0x1E5B8] =	vst v63  }
0x16d: {  	_ =	swait.ge [sflag:s23], $0xA00  }
0x16e: {  	[sflag:s23] =	ssyncset.done $0x0  }
0x16f: {  	[sflag:s23] =	ssyncadd.s32 $0xFFFFF600  }
0x170: {  	_ =	sfence.sel $0x180000  }
0x171: {  	[bflag:$0x0] =	sbarrier.arrive $0xFFFF  }
0x172: {  	_ =	strace $0x90000047  }
0x173: {  	[bflag:$0x2] =	sbarrier.arrive $0xFFFF  }
0x174: {  	s0 =	rddreg [dreg:$0x6]  }
0x175: {  	s0 =	sadd.s32 @!p0 $0x100000, s0  }
0x176: {  	[sflag:s0] =	ssyncadd.tile.s32 @!p0 $0x1;
	_ =	shalt  }
.Lfunc_end2:
_tile_overlayer_lowered:
.L_overlay_start_2:
0x177: {  	(tag) =	ssettag $0x2  }
0x178: {  	s0 =	rddreg [dreg:$0x0];
	s2 =	stileid.u32  }
0x179: {  	s1 =	rddreg [dreg:$0x1];
	p0 =	sne.s32 s2, $0x0  }
0x17a: {  	s3 =	rddreg [dreg:$0x2];
	[bflag:$0x3] =	sbarrier.arrive $0xFFFF;
	s2 =	simm.s32 @!p0 $0x1C02  }
0x17b: {  	[timem:s3], [sflag:s2] =	dma.local @!p0 [hbm:s0], s1  }
0x17c: {  	s0 =	simm.s32 @!p0 $0x2  }
0x17d: {  	_ =	swait.ge @!p0 [sflag:s0], s1  }
0x17e: {  	s1 =	ssub.s32 @!p0 $0x0, s1;
	[sflag:s0] =	ssyncset.done @!p0 $0x0  }
0x17f: {  	[sflag:s0] =	ssyncadd.s32 @!p0 s1  }
0x180: {  	[bflag:$0x3] =	sbarrier.arrive $0xFFFF  }
0x181: {  	_ =	shalt  }

</sc_bundles>
